<compile_context>
chip_gen: v7x
topology: tpu7x:2x2x1
jax: 0.10.2.dev20260603
libtpu: 0.0.44.dev20260713+nightly
codegen_flags: <defaults>
</compile_context>

<pallas_src>
import functools

import jax
import jax.numpy as jnp
from jax import lax
from jax.experimental import pallas as pl
from jax.experimental.pallas import tpu as pltpu
from jax.experimental.pallas import tpu_sc as plsc

NUM_CLASSES = 1000000
EMBED_DIM = 32
BATCH = 16384
FIELDS = 26

NC = 2
NS = 16
NW = NC * NS
LANES = 16

N_FULL = NUM_CLASSES // 128
TAIL = NUM_CLASSES - N_FULL * 128
A_BASE = N_FULL // NW
A_EXTRA = N_FULL - A_BASE * NW

TOTAL = BATCH * FIELDS
PER_W = TOTAL // NW
IDX_B = 128
GPC = 2
CHUNK = IDX_B * GPC
N_CHUNKS = PER_W // CHUNK
N_GATHER = PER_W // IDX_B
NBUF = 4
N_MAIN = N_CHUNKS // NBUF - 1

assert PER_W * NW == TOTAL
assert CHUNK * N_CHUNKS == PER_W
assert N_CHUNKS % NBUF == 0


def _tc_transpose_body(in_ref, out_ref):
    t = in_ref[...].T
    t4 = t.reshape(8, 16, 4, 32)
    out_ref[...] = jnp.concatenate([t4[:, :, s, :] for s in range(4)], axis=-1)


def _make_tc_transpose():
    grid = (NUM_CLASSES + 511) // 512
    return pl.pallas_call(
        _tc_transpose_body,
        grid=(grid,),
        in_specs=[pl.BlockSpec((32, 512), lambda i: (0, i))],
        out_specs=pl.BlockSpec((8, 16, 128), lambda i: (i, 0, 0)),
        out_shape=jax.ShapeDtypeStruct((15625, 16, 128), jnp.float32),
    )


def _make_transpose():
    mesh = plsc.VectorSubcoreMesh(core_axis_name="c", subcore_axis_name="s")

    @functools.partial(
        pl.kernel,
        mesh=mesh,
        out_type=jax.ShapeDtypeStruct((NUM_CLASSES // 4, 128), jnp.float32),
        scratch_types=[
            pltpu.VMEM((2, 32, 128), jnp.float32),
            pltpu.VMEM((2, 32, 128), jnp.float32),
        ]
        + [pltpu.SemaphoreType.DMA] * 4,
        compiler_params=pltpu.CompilerParams(
            use_tc_tiling_on_sc=True, needs_layout_passes=False
        ),
    )
    def transpose_kernel(wt_hbm, tail_hbm, w128_hbm, buf_in, buf_out, *sems):
        isem = sems[:2]
        osem = sems[2:]
        wid = lax.axis_index("s") * NC + lax.axis_index("c")
        start = wid * A_BASE + jnp.minimum(wid, A_EXTRA)
        end = start + A_BASE + jnp.where(wid < A_EXTRA, 1, 0)

        lane = lax.iota(jnp.int32, LANES)

        def start_in(vb, p):
            pltpu.async_copy(
                wt_hbm.at[:, pl.ds(vb * 128, 128)],
                buf_in.at[p],
                isem[p],
            )

        def wait_in(p):
            pltpu.make_async_copy(
                wt_hbm.at[:, pl.ds(0, 128)],
                buf_in.at[p],
                isem[p],
            ).wait()

        def start_out(vb, p):
            pltpu.async_copy(
                buf_out.at[p],
                w128_hbm.at[pl.ds(vb * 32, 32)],
                osem[p],
            )

        def wait_out(p):
            pltpu.make_async_copy(
                buf_out.at[p],
                w128_hbm.at[pl.ds(0, 32)],
                osem[p],
            ).wait()

        def transpose_block(p):
            for jj in range(32):
                for g in range(8):
                    row = lane + 16 * (g % 2)
                    col = jnp.full((LANES,), 4 * jj + g // 2, jnp.int32)
                    v = plsc.load_gather(buf_in.at[p], [row, col])
                    buf_out.at[p][jj, pl.ds(g * 16, LANES)] = v

        start_in(start, 0)

        def body2(i, _):
            vb = start + i * 2
            @pl.when(vb < end)
            def _():
                wait_in(0)

                @pl.when(vb + 1 < end)
                def _():
                    start_in(vb + 1, 1)

                transpose_block(0)
                start_out(vb, 0)

            @pl.when(vb + 1 < end)
            def _():
                wait_in(1)

                @pl.when(vb + 2 < end)
                def _():
                    start_in(vb + 2, 0)

                transpose_block(1)
                start_out(vb + 1, 1)

            @pl.when(vb < end)
            def _():
                wait_out(0)

            @pl.when(vb + 1 < end)
            def _():
                wait_out(1)

            return 0

        n_pairs = (A_BASE + 2) // 2
        lax.fori_loop(0, n_pairs, body2, 0)

        @pl.when(wid == 0)
        def _():
            pltpu.async_copy(
                tail_hbm,
                buf_in.at[0].at[pl.ds(0, 16)],
                isem[0],
            ).wait()
            pltpu.async_copy(
                buf_in.at[0].at[pl.ds(0, 16)],
                w128_hbm.at[pl.ds(N_FULL * 32, 16)],
                osem[0],
            ).wait()

    return transpose_kernel


def _make_gather():
    mesh = plsc.VectorSubcoreMesh(core_axis_name="c", subcore_axis_name="s")

    @functools.partial(
        pl.kernel,
        mesh=mesh,
        out_type=jax.ShapeDtypeStruct((TOTAL, EMBED_DIM), jnp.float32),
        scratch_types=[
            pltpu.VMEM((N_GATHER, IDX_B), jnp.int32),
            pltpu.VMEM((NBUF, CHUNK, EMBED_DIM), jnp.float32),
        ]
        + [pltpu.SemaphoreType.DMA] * (2 * NBUF),
        compiler_params=pltpu.CompilerParams(use_tc_tiling_on_sc=False),
    )
    def gather_kernel(table_hbm, idx_hbm, out_hbm, idx_v, rows_v, *sems):
        gsem = sems[:NBUF]
        osem = sems[NBUF:]
        wid = lax.axis_index("s") * NC + lax.axis_index("c")
        pltpu.sync_copy(idx_hbm.at[wid], idx_v)

        def start_gather(c, b):
            for j in range(GPC):
                pltpu.async_copy(
                    table_hbm.at[idx_v.at[c * GPC + j]],
                    rows_v.at[b].at[pl.ds(j * IDX_B, IDX_B)],
                    gsem[b],
                )

        def wait_gather(b):
            for j in range(GPC):
                pltpu.make_async_copy(
                    table_hbm.at[idx_v.at[j]],
                    rows_v.at[b].at[pl.ds(j * IDX_B, IDX_B)],
                    gsem[b],
                ).wait()

        def start_out(c, b):
            pltpu.async_copy(
                rows_v.at[b],
                out_hbm.at[pl.ds(wid * PER_W + c * CHUNK, CHUNK)],
                osem[b],
            )

        def wait_out(b):
            pltpu.make_async_copy(
                rows_v.at[b],
                out_hbm.at[pl.ds(wid * PER_W, CHUNK)],
                osem[b],
            ).wait()

        for b in range(NBUF):
            start_gather(jnp.int32(b), b)

        def body(g, _):
            for b in range(NBUF):
                c = g * NBUF + b
                wait_gather(b)
                start_out(c, b)
            for b in range(NBUF):
                c_next = (g + 1) * NBUF + b
                wait_out(b)
                start_gather(c_next, b)
            return 0

        lax.fori_loop(0, N_MAIN, body, 0)

        for b in range(NBUF):
            c = N_MAIN * NBUF + b
            wait_gather(b)
            start_out(jnp.int32(c), b)
        for b in range(NBUF):
            wait_out(b)

    return gather_kernel


_tc_transpose = _make_tc_transpose()
_gather = _make_gather()


def kernel(severity_ids, weight):
    w128 = _tc_transpose(weight.T)
    table = w128.reshape(NUM_CLASSES, EMBED_DIM)
    idx = severity_ids.reshape(NW, N_GATHER, IDX_B).astype(jnp.int32)
    out = _gather(table, idx)
    return out.reshape(BATCH, FIELDS, EMBED_DIM)

# --- scband reference (transcript-rebuilt; emitter-appended) ---
"""Pipeline reference for scband-severity-embedding-61778809586191 (READ-ONLY COPY).

The authoritative reference and input builder live on the scoring server;
editing this copy changes nothing except your own understanding.
"""

import jax, jax.numpy as jnp
import numpy as np

NUM_CLASSES = 1000000
EMBED_DIM = 32
BATCH = 16384
FIELDS = 26

def setup_inputs(seed: int = 0) -> dict:
    key = jax.random.key(seed)
    k_ids, k_w = jax.random.split(key)
    severity_ids = jax.random.randint(k_ids, (BATCH, FIELDS), 0, NUM_CLASSES, dtype=jnp.int64 if jax.config.jax_enable_x64 else jnp.int32)
    weight = jax.random.normal(k_w, (NUM_CLASSES, EMBED_DIM), dtype=jnp.float32) * 0.02
    return {"severity_ids": severity_ids, "weight": weight}

def reference(severity_ids, weight):
    # torch.nn.Embedding lookup -> gather rows of the table
    return jnp.take(weight, severity_ids, axis=0)

if __name__ == "__main__":
    import jax
    _d = setup_inputs()
    print(jax.jit(kernel)(*tuple(_d.values())))

</pallas_src>

<mosaic_0001>
#map = affine_map<(d0, d1) -> (0, 0)>
#map1 = affine_map<(d0, d1) -> (0, 0, 0)>
module attributes {stable_mosaic.version = 14 : i64} {
  func.func @gather_kernel(%arg0: i32, %arg1: i32, %arg2: memref<1000000x32xf32, #tpu.memory_space<hbm>>, %arg3: memref<32x104x128xi32, #tpu.memory_space<hbm>>, %arg4: memref<425984x32xf32, #tpu.memory_space<hbm>>, %arg5: memref<104x128xi32, #tpu.memory_space<vmem>>, %arg6: memref<4x256x32xf32, #tpu.memory_space<vmem>>, %arg7: memref<!tpu.dma_semaphore, #tpu.memory_space<semaphore_mem>>, %arg8: memref<!tpu.dma_semaphore, #tpu.memory_space<semaphore_mem>>, %arg9: memref<!tpu.dma_semaphore, #tpu.memory_space<semaphore_mem>>, %arg10: memref<!tpu.dma_semaphore, #tpu.memory_space<semaphore_mem>>, %arg11: memref<!tpu.dma_semaphore, #tpu.memory_space<semaphore_mem>>, %arg12: memref<!tpu.dma_semaphore, #tpu.memory_space<semaphore_mem>>, %arg13: memref<!tpu.dma_semaphore, #tpu.memory_space<semaphore_mem>>, %arg14: memref<!tpu.dma_semaphore, #tpu.memory_space<semaphore_mem>>) attributes {dimension_semantics = [#tpu.dimension_semantics<core_parallel>, #tpu.dimension_semantics<subcore_parallel>], iteration_bounds = array<i64: 2, 16>, scalar_prefetch = 0 : i64, scratch_operands = 10 : i64, tpu.core_type = #tpu.core_type<sc_vector_subcore>, window_params = [{transform_indices = #map}, {transform_indices = #map1}, {transform_indices = #map}]} {
    %mul3A = arith.constant 2 : i32
    %mul3A_0 = arith.muli %arg1, %mul3A : i32
    %add3A = arith.addi %mul3A_0, %arg0 : i32
    "tpu.region"() ({
      %run_scoped3A = tpu.sem_alloc : memref<!tpu.dma_semaphore, #tpu.memory_space<semaphore_mem>>
      %dma_start3A_413 = arith.constant 0 : i32
      %dma_start3A_414 = arith.constant 0 : i32
      %dma_start3A_415 = tpu.memref_slice %arg3[%add3A, %dma_start3A_413, %dma_start3A_414] : memref<32x104x128xi32, #tpu.memory_space<hbm>> -> memref<1x104x128xi32, #tpu.memory_space<hbm>>
      %dma_start3A_416 = tpu.memref_squeeze %dma_start3A_415 : memref<1x104x128xi32, #tpu.memory_space<hbm>> -> memref<104x128xi32, #tpu.memory_space<hbm>>
      %dma_start3A_417 = arith.constant 0 : i32
      %dma_start3A_418 = arith.constant 0 : i32
      %dma_start3A_419 = tpu.memref_slice %arg3[%add3A, %dma_start3A_417, %dma_start3A_418] : memref<32x104x128xi32, #tpu.memory_space<hbm>> -> memref<1x104x128xi32, #tpu.memory_space<hbm>>
      %dma_start3A_420 = tpu.memref_squeeze %dma_start3A_419 : memref<1x104x128xi32, #tpu.memory_space<hbm>> -> memref<104x128xi32, #tpu.memory_space<hbm>>
      tpu.enqueue_dma source(%dma_start3A_420 : memref<104x128xi32, #tpu.memory_space<hbm>>) target(%arg5 : memref<104x128xi32, #tpu.memory_space<vmem>>) target_semaphore(%run_scoped3A : memref<!tpu.dma_semaphore, #tpu.memory_space<semaphore_mem>>)
      %dma_wait3A_421 = arith.constant 0 : i32
      %dma_wait3A_422 = arith.constant 0 : i32
      %dma_wait3A_423 = tpu.memref_slice %arg3[%add3A, %dma_wait3A_421, %dma_wait3A_422] : memref<32x104x128xi32, #tpu.memory_space<hbm>> -> memref<1x104x128xi32, #tpu.memory_space<hbm>>
      %dma_wait3A_424 = tpu.memref_squeeze %dma_wait3A_423 : memref<1x104x128xi32, #tpu.memory_space<hbm>> -> memref<104x128xi32, #tpu.memory_space<hbm>>
      %dma_wait3A_425 = arith.constant 0 : i32
      %dma_wait3A_426 = arith.constant 0 : i32
      %dma_wait3A_427 = tpu.memref_slice %arg3[%add3A, %dma_wait3A_425, %dma_wait3A_426] : memref<32x104x128xi32, #tpu.memory_space<hbm>> -> memref<1x104x128xi32, #tpu.memory_space<hbm>>
      %dma_wait3A_428 = tpu.memref_squeeze %dma_wait3A_427 : memref<1x104x128xi32, #tpu.memory_space<hbm>> -> memref<104x128xi32, #tpu.memory_space<hbm>>
      tpu.wait_dma2 semaphore(%run_scoped3A : memref<!tpu.dma_semaphore, #tpu.memory_space<semaphore_mem>>) src(%dma_wait3A_428 : memref<104x128xi32, #tpu.memory_space<hbm>>) dst(%arg5 : memref<104x128xi32, #tpu.memory_space<vmem>>)
      tpu.yield
    }) : () -> ()
    %mul3A_1 = arith.constant 0 : i32
    %mul3A_2 = arith.constant 2 : i32
    %mul3A_3 = arith.muli %mul3A_1, %mul3A_2 : i32
    %add3A_4 = arith.constant 0 : i32
    %add3A_5 = arith.addi %mul3A_3, %add3A_4 : i32
    %dma_start3A = arith.constant 0 : i32
    %dma_start3A_6 = arith.constant 0 : i32
    %dma_start3A_7 = arith.constant 0 : i32
    %dma_start3A_8 = tpu.memref_slice %arg6[%dma_start3A, %dma_start3A_6, %dma_start3A_7] : memref<4x256x32xf32, #tpu.memory_space<vmem>> -> memref<1x256x32xf32, #tpu.memory_space<vmem>>
    %dma_start3A_9 = tpu.memref_squeeze %dma_start3A_8 : memref<1x256x32xf32, #tpu.memory_space<vmem>> -> memref<256x32xf32, #tpu.memory_space<vmem>>
    %dma_start3A_10 = arith.constant 0 : i32
    %dma_start3A_11 = arith.constant 0 : i32
    %dma_start3A_12 = tpu.memref_slice %dma_start3A_9[%dma_start3A_10, %dma_start3A_11] : memref<256x32xf32, #tpu.memory_space<vmem>> -> memref<128x32xf32, #tpu.memory_space<vmem>>
    %dma_start3A_13 = arith.constant 0 : i32
    %dma_start3A_14 = tpu.memref_slice %arg5[%add3A_5, %dma_start3A_13] : memref<104x128xi32, #tpu.memory_space<vmem>> -> memref<1x128xi32, #tpu.memory_space<vmem>>
    %dma_start3A_15 = tpu.memref_squeeze %dma_start3A_14 : memref<1x128xi32, #tpu.memory_space<vmem>> -> memref<128xi32, #tpu.memory_space<vmem>>
    %dma_start3A_16 = arith.constant 0 : i32
    %dma_start3A_17 = arith.constant 0 : i32
    %dma_start3A_18 = tpu.memref_slice %arg2[%dma_start3A_16, %dma_start3A_17] : memref<1000000x32xf32, #tpu.memory_space<hbm>> -> memref<1000000x32xf32, #tpu.memory_space<hbm>>
    tpu.enqueue_indirect_dma source(%dma_start3A_18 : memref<1000000x32xf32, #tpu.memory_space<hbm>>) target(%dma_start3A_12 : memref<128x32xf32, #tpu.memory_space<vmem>>) offsets(%dma_start3A_15 : memref<128xi32, #tpu.memory_space<vmem>>) semaphore(%arg7 : memref<!tpu.dma_semaphore, #tpu.memory_space<semaphore_mem>>)
    %mul3A_19 = arith.constant 0 : i32
    %mul3A_20 = arith.constant 2 : i32
    %mul3A_21 = arith.muli %mul3A_19, %mul3A_20 : i32
    %add3A_22 = arith.constant 1 : i32
    %add3A_23 = arith.addi %mul3A_21, %add3A_22 : i32
    %dma_start3A_24 = arith.constant 0 : i32
    %dma_start3A_25 = arith.constant 0 : i32
    %dma_start3A_26 = arith.constant 0 : i32
    %dma_start3A_27 = tpu.memref_slice %arg6[%dma_start3A_24, %dma_start3A_25, %dma_start3A_26] : memref<4x256x32xf32, #tpu.memory_space<vmem>> -> memref<1x256x32xf32, #tpu.memory_space<vmem>>
    %dma_start3A_28 = tpu.memref_squeeze %dma_start3A_27 : memref<1x256x32xf32, #tpu.memory_space<vmem>> -> memref<256x32xf32, #tpu.memory_space<vmem>>
    %dma_start3A_29 = arith.constant 128 : i32
    %dma_start3A_30 = arith.constant 0 : i32
    %dma_start3A_31 = tpu.memref_slice %dma_start3A_28[%dma_start3A_29, %dma_start3A_30] : memref<256x32xf32, #tpu.memory_space<vmem>> -> memref<128x32xf32, #tpu.memory_space<vmem>>
    %dma_start3A_32 = arith.constant 0 : i32
    %dma_start3A_33 = tpu.memref_slice %arg5[%add3A_23, %dma_start3A_32] : memref<104x128xi32, #tpu.memory_space<vmem>> -> memref<1x128xi32, #tpu.memory_space<vmem>>
    %dma_start3A_34 = tpu.memref_squeeze %dma_start3A_33 : memref<1x128xi32, #tpu.memory_space<vmem>> -> memref<128xi32, #tpu.memory_space<vmem>>
    %dma_start3A_35 = arith.constant 0 : i32
    %dma_start3A_36 = arith.constant 0 : i32
    %dma_start3A_37 = tpu.memref_slice %arg2[%dma_start3A_35, %dma_start3A_36] : memref<1000000x32xf32, #tpu.memory_space<hbm>> -> memref<1000000x32xf32, #tpu.memory_space<hbm>>
    tpu.enqueue_indirect_dma source(%dma_start3A_37 : memref<1000000x32xf32, #tpu.memory_space<hbm>>) target(%dma_start3A_31 : memref<128x32xf32, #tpu.memory_space<vmem>>) offsets(%dma_start3A_34 : memref<128xi32, #tpu.memory_space<vmem>>) semaphore(%arg7 : memref<!tpu.dma_semaphore, #tpu.memory_space<semaphore_mem>>)
    %mul3A_38 = arith.constant 1 : i32
    %mul3A_39 = arith.constant 2 : i32
    %mul3A_40 = arith.muli %mul3A_38, %mul3A_39 : i32
    %add3A_41 = arith.constant 0 : i32
    %add3A_42 = arith.addi %mul3A_40, %add3A_41 : i32
    %dma_start3A_43 = arith.constant 1 : i32
    %dma_start3A_44 = arith.constant 0 : i32
    %dma_start3A_45 = arith.constant 0 : i32
    %dma_start3A_46 = tpu.memref_slice %arg6[%dma_start3A_43, %dma_start3A_44, %dma_start3A_45] : memref<4x256x32xf32, #tpu.memory_space<vmem>> -> memref<1x256x32xf32, #tpu.memory_space<vmem>>
    %dma_start3A_47 = tpu.memref_squeeze %dma_start3A_46 : memref<1x256x32xf32, #tpu.memory_space<vmem>> -> memref<256x32xf32, #tpu.memory_space<vmem>>
    %dma_start3A_48 = arith.constant 0 : i32
    %dma_start3A_49 = arith.constant 0 : i32
    %dma_start3A_50 = tpu.memref_slice %dma_start3A_47[%dma_start3A_48, %dma_start3A_49] : memref<256x32xf32, #tpu.memory_space<vmem>> -> memref<128x32xf32, #tpu.memory_space<vmem>>
    %dma_start3A_51 = arith.constant 0 : i32
    %dma_start3A_52 = tpu.memref_slice %arg5[%add3A_42, %dma_start3A_51] : memref<104x128xi32, #tpu.memory_space<vmem>> -> memref<1x128xi32, #tpu.memory_space<vmem>>
    %dma_start3A_53 = tpu.memref_squeeze %dma_start3A_52 : memref<1x128xi32, #tpu.memory_space<vmem>> -> memref<128xi32, #tpu.memory_space<vmem>>
    %dma_start3A_54 = arith.constant 0 : i32
    %dma_start3A_55 = arith.constant 0 : i32
    %dma_start3A_56 = tpu.memref_slice %arg2[%dma_start3A_54, %dma_start3A_55] : memref<1000000x32xf32, #tpu.memory_space<hbm>> -> memref<1000000x32xf32, #tpu.memory_space<hbm>>
    tpu.enqueue_indirect_dma source(%dma_start3A_56 : memref<1000000x32xf32, #tpu.memory_space<hbm>>) target(%dma_start3A_50 : memref<128x32xf32, #tpu.memory_space<vmem>>) offsets(%dma_start3A_53 : memref<128xi32, #tpu.memory_space<vmem>>) semaphore(%arg8 : memref<!tpu.dma_semaphore, #tpu.memory_space<semaphore_mem>>)
    %mul3A_57 = arith.constant 1 : i32
    %mul3A_58 = arith.constant 2 : i32
    %mul3A_59 = arith.muli %mul3A_57, %mul3A_58 : i32
    %add3A_60 = arith.constant 1 : i32
    %add3A_61 = arith.addi %mul3A_59, %add3A_60 : i32
    %dma_start3A_62 = arith.constant 1 : i32
    %dma_start3A_63 = arith.constant 0 : i32
    %dma_start3A_64 = arith.constant 0 : i32
    %dma_start3A_65 = tpu.memref_slice %arg6[%dma_start3A_62, %dma_start3A_63, %dma_start3A_64] : memref<4x256x32xf32, #tpu.memory_space<vmem>> -> memref<1x256x32xf32, #tpu.memory_space<vmem>>
    %dma_start3A_66 = tpu.memref_squeeze %dma_start3A_65 : memref<1x256x32xf32, #tpu.memory_space<vmem>> -> memref<256x32xf32, #tpu.memory_space<vmem>>
    %dma_start3A_67 = arith.constant 128 : i32
    %dma_start3A_68 = arith.constant 0 : i32
    %dma_start3A_69 = tpu.memref_slice %dma_start3A_66[%dma_start3A_67, %dma_start3A_68] : memref<256x32xf32, #tpu.memory_space<vmem>> -> memref<128x32xf32, #tpu.memory_space<vmem>>
    %dma_start3A_70 = arith.constant 0 : i32
    %dma_start3A_71 = tpu.memref_slice %arg5[%add3A_61, %dma_start3A_70] : memref<104x128xi32, #tpu.memory_space<vmem>> -> memref<1x128xi32, #tpu.memory_space<vmem>>
    %dma_start3A_72 = tpu.memref_squeeze %dma_start3A_71 : memref<1x128xi32, #tpu.memory_space<vmem>> -> memref<128xi32, #tpu.memory_space<vmem>>
    %dma_start3A_73 = arith.constant 0 : i32
    %dma_start3A_74 = arith.constant 0 : i32
    %dma_start3A_75 = tpu.memref_slice %arg2[%dma_start3A_73, %dma_start3A_74] : memref<1000000x32xf32, #tpu.memory_space<hbm>> -> memref<1000000x32xf32, #tpu.memory_space<hbm>>
    tpu.enqueue_indirect_dma source(%dma_start3A_75 : memref<1000000x32xf32, #tpu.memory_space<hbm>>) target(%dma_start3A_69 : memref<128x32xf32, #tpu.memory_space<vmem>>) offsets(%dma_start3A_72 : memref<128xi32, #tpu.memory_space<vmem>>) semaphore(%arg8 : memref<!tpu.dma_semaphore, #tpu.memory_space<semaphore_mem>>)
    %mul3A_76 = arith.constant 2 : i32
    %mul3A_77 = arith.constant 2 : i32
    %mul3A_78 = arith.muli %mul3A_76, %mul3A_77 : i32
    %add3A_79 = arith.constant 0 : i32
    %add3A_80 = arith.addi %mul3A_78, %add3A_79 : i32
    %dma_start3A_81 = arith.constant 2 : i32
    %dma_start3A_82 = arith.constant 0 : i32
    %dma_start3A_83 = arith.constant 0 : i32
    %dma_start3A_84 = tpu.memref_slice %arg6[%dma_start3A_81, %dma_start3A_82, %dma_start3A_83] : memref<4x256x32xf32, #tpu.memory_space<vmem>> -> memref<1x256x32xf32, #tpu.memory_space<vmem>>
    %dma_start3A_85 = tpu.memref_squeeze %dma_start3A_84 : memref<1x256x32xf32, #tpu.memory_space<vmem>> -> memref<256x32xf32, #tpu.memory_space<vmem>>
    %dma_start3A_86 = arith.constant 0 : i32
    %dma_start3A_87 = arith.constant 0 : i32
    %dma_start3A_88 = tpu.memref_slice %dma_start3A_85[%dma_start3A_86, %dma_start3A_87] : memref<256x32xf32, #tpu.memory_space<vmem>> -> memref<128x32xf32, #tpu.memory_space<vmem>>
    %dma_start3A_89 = arith.constant 0 : i32
    %dma_start3A_90 = tpu.memref_slice %arg5[%add3A_80, %dma_start3A_89] : memref<104x128xi32, #tpu.memory_space<vmem>> -> memref<1x128xi32, #tpu.memory_space<vmem>>
    %dma_start3A_91 = tpu.memref_squeeze %dma_start3A_90 : memref<1x128xi32, #tpu.memory_space<vmem>> -> memref<128xi32, #tpu.memory_space<vmem>>
    %dma_start3A_92 = arith.constant 0 : i32
    %dma_start3A_93 = arith.constant 0 : i32
    %dma_start3A_94 = tpu.memref_slice %arg2[%dma_start3A_92, %dma_start3A_93] : memref<1000000x32xf32, #tpu.memory_space<hbm>> -> memref<1000000x32xf32, #tpu.memory_space<hbm>>
    tpu.enqueue_indirect_dma source(%dma_start3A_94 : memref<1000000x32xf32, #tpu.memory_space<hbm>>) target(%dma_start3A_88 : memref<128x32xf32, #tpu.memory_space<vmem>>) offsets(%dma_start3A_91 : memref<128xi32, #tpu.memory_space<vmem>>) semaphore(%arg9 : memref<!tpu.dma_semaphore, #tpu.memory_space<semaphore_mem>>)
    %mul3A_95 = arith.constant 2 : i32
    %mul3A_96 = arith.constant 2 : i32
    %mul3A_97 = arith.muli %mul3A_95, %mul3A_96 : i32
    %add3A_98 = arith.constant 1 : i32
    %add3A_99 = arith.addi %mul3A_97, %add3A_98 : i32
    %dma_start3A_100 = arith.constant 2 : i32
    %dma_start3A_101 = arith.constant 0 : i32
    %dma_start3A_102 = arith.constant 0 : i32
    %dma_start3A_103 = tpu.memref_slice %arg6[%dma_start3A_100, %dma_start3A_101, %dma_start3A_102] : memref<4x256x32xf32, #tpu.memory_space<vmem>> -> memref<1x256x32xf32, #tpu.memory_space<vmem>>
    %dma_start3A_104 = tpu.memref_squeeze %dma_start3A_103 : memref<1x256x32xf32, #tpu.memory_space<vmem>> -> memref<256x32xf32, #tpu.memory_space<vmem>>
    %dma_start3A_105 = arith.constant 128 : i32
    %dma_start3A_106 = arith.constant 0 : i32
    %dma_start3A_107 = tpu.memref_slice %dma_start3A_104[%dma_start3A_105, %dma_start3A_106] : memref<256x32xf32, #tpu.memory_space<vmem>> -> memref<128x32xf32, #tpu.memory_space<vmem>>
    %dma_start3A_108 = arith.constant 0 : i32
    %dma_start3A_109 = tpu.memref_slice %arg5[%add3A_99, %dma_start3A_108] : memref<104x128xi32, #tpu.memory_space<vmem>> -> memref<1x128xi32, #tpu.memory_space<vmem>>
    %dma_start3A_110 = tpu.memref_squeeze %dma_start3A_109 : memref<1x128xi32, #tpu.memory_space<vmem>> -> memref<128xi32, #tpu.memory_space<vmem>>
    %dma_start3A_111 = arith.constant 0 : i32
    %dma_start3A_112 = arith.constant 0 : i32
    %dma_start3A_113 = tpu.memref_slice %arg2[%dma_start3A_111, %dma_start3A_112] : memref<1000000x32xf32, #tpu.memory_space<hbm>> -> memref<1000000x32xf32, #tpu.memory_space<hbm>>
    tpu.enqueue_indirect_dma source(%dma_start3A_113 : memref<1000000x32xf32, #tpu.memory_space<hbm>>) target(%dma_start3A_107 : memref<128x32xf32, #tpu.memory_space<vmem>>) offsets(%dma_start3A_110 : memref<128xi32, #tpu.memory_space<vmem>>) semaphore(%arg9 : memref<!tpu.dma_semaphore, #tpu.memory_space<semaphore_mem>>)
    %mul3A_114 = arith.constant 3 : i32
    %mul3A_115 = arith.constant 2 : i32
    %mul3A_116 = arith.muli %mul3A_114, %mul3A_115 : i32
    %add3A_117 = arith.constant 0 : i32
    %add3A_118 = arith.addi %mul3A_116, %add3A_117 : i32
    %dma_start3A_119 = arith.constant 3 : i32
    %dma_start3A_120 = arith.constant 0 : i32
    %dma_start3A_121 = arith.constant 0 : i32
    %dma_start3A_122 = tpu.memref_slice %arg6[%dma_start3A_119, %dma_start3A_120, %dma_start3A_121] : memref<4x256x32xf32, #tpu.memory_space<vmem>> -> memref<1x256x32xf32, #tpu.memory_space<vmem>>
    %dma_start3A_123 = tpu.memref_squeeze %dma_start3A_122 : memref<1x256x32xf32, #tpu.memory_space<vmem>> -> memref<256x32xf32, #tpu.memory_space<vmem>>
    %dma_start3A_124 = arith.constant 0 : i32
    %dma_start3A_125 = arith.constant 0 : i32
    %dma_start3A_126 = tpu.memref_slice %dma_start3A_123[%dma_start3A_124, %dma_start3A_125] : memref<256x32xf32, #tpu.memory_space<vmem>> -> memref<128x32xf32, #tpu.memory_space<vmem>>
    %dma_start3A_127 = arith.constant 0 : i32
    %dma_start3A_128 = tpu.memref_slice %arg5[%add3A_118, %dma_start3A_127] : memref<104x128xi32, #tpu.memory_space<vmem>> -> memref<1x128xi32, #tpu.memory_space<vmem>>
    %dma_start3A_129 = tpu.memref_squeeze %dma_start3A_128 : memref<1x128xi32, #tpu.memory_space<vmem>> -> memref<128xi32, #tpu.memory_space<vmem>>
    %dma_start3A_130 = arith.constant 0 : i32
    %dma_start3A_131 = arith.constant 0 : i32
    %dma_start3A_132 = tpu.memref_slice %arg2[%dma_start3A_130, %dma_start3A_131] : memref<1000000x32xf32, #tpu.memory_space<hbm>> -> memref<1000000x32xf32, #tpu.memory_space<hbm>>
    tpu.enqueue_indirect_dma source(%dma_start3A_132 : memref<1000000x32xf32, #tpu.memory_space<hbm>>) target(%dma_start3A_126 : memref<128x32xf32, #tpu.memory_space<vmem>>) offsets(%dma_start3A_129 : memref<128xi32, #tpu.memory_space<vmem>>) semaphore(%arg10 : memref<!tpu.dma_semaphore, #tpu.memory_space<semaphore_mem>>)
    %mul3A_133 = arith.constant 3 : i32
    %mul3A_134 = arith.constant 2 : i32
    %mul3A_135 = arith.muli %mul3A_133, %mul3A_134 : i32
    %add3A_136 = arith.constant 1 : i32
    %add3A_137 = arith.addi %mul3A_135, %add3A_136 : i32
    %dma_start3A_138 = arith.constant 3 : i32
    %dma_start3A_139 = arith.constant 0 : i32
    %dma_start3A_140 = arith.constant 0 : i32
    %dma_start3A_141 = tpu.memref_slice %arg6[%dma_start3A_138, %dma_start3A_139, %dma_start3A_140] : memref<4x256x32xf32, #tpu.memory_space<vmem>> -> memref<1x256x32xf32, #tpu.memory_space<vmem>>
    %dma_start3A_142 = tpu.memref_squeeze %dma_start3A_141 : memref<1x256x32xf32, #tpu.memory_space<vmem>> -> memref<256x32xf32, #tpu.memory_space<vmem>>
    %dma_start3A_143 = arith.constant 128 : i32
    %dma_start3A_144 = arith.constant 0 : i32
    %dma_start3A_145 = tpu.memref_slice %dma_start3A_142[%dma_start3A_143, %dma_start3A_144] : memref<256x32xf32, #tpu.memory_space<vmem>> -> memref<128x32xf32, #tpu.memory_space<vmem>>
    %dma_start3A_146 = arith.constant 0 : i32
    %dma_start3A_147 = tpu.memref_slice %arg5[%add3A_137, %dma_start3A_146] : memref<104x128xi32, #tpu.memory_space<vmem>> -> memref<1x128xi32, #tpu.memory_space<vmem>>
    %dma_start3A_148 = tpu.memref_squeeze %dma_start3A_147 : memref<1x128xi32, #tpu.memory_space<vmem>> -> memref<128xi32, #tpu.memory_space<vmem>>
    %dma_start3A_149 = arith.constant 0 : i32
    %dma_start3A_150 = arith.constant 0 : i32
    %dma_start3A_151 = tpu.memref_slice %arg2[%dma_start3A_149, %dma_start3A_150] : memref<1000000x32xf32, #tpu.memory_space<hbm>> -> memref<1000000x32xf32, #tpu.memory_space<hbm>>
    tpu.enqueue_indirect_dma source(%dma_start3A_151 : memref<1000000x32xf32, #tpu.memory_space<hbm>>) target(%dma_start3A_145 : memref<128x32xf32, #tpu.memory_space<vmem>>) offsets(%dma_start3A_148 : memref<128xi32, #tpu.memory_space<vmem>>) semaphore(%arg10 : memref<!tpu.dma_semaphore, #tpu.memory_space<semaphore_mem>>)
    %scan3A = arith.constant 0 : i32
    %scan3A_152 = arith.constant 0 : i32
    %scan3A_153 = arith.constant 12 : i32
    %scan3A_154 = arith.addi %scan3A_152, %scan3A_153 : i32
    %scan3A_155 = arith.constant 1 : i32
    %scan3A_156 = scf.for %scan3A_413 = %scan3A_152 to %scan3A_154 step %scan3A_155 iter_args(%scan3A_414 = %scan3A) -> (i32)  : i32 {
      %mul3A_415 = arith.constant 4 : i32
      %mul3A_416 = arith.muli %scan3A_413, %mul3A_415 : i32
      %add3A_417 = arith.constant 0 : i32
      %add3A_418 = arith.addi %mul3A_416, %add3A_417 : i32
      %dma_wait3A_419 = arith.constant 0 : i32
      %dma_wait3A_420 = arith.constant 0 : i32
      %dma_wait3A_421 = arith.constant 0 : i32
      %dma_wait3A_422 = arith.constant 0 : i32
      %dma_wait3A_423 = tpu.memref_slice %arg6[%dma_wait3A_420, %dma_wait3A_421, %dma_wait3A_422] : memref<4x256x32xf32, #tpu.memory_space<vmem>> -> memref<1x256x32xf32, #tpu.memory_space<vmem>>
      %dma_wait3A_424 = tpu.memref_squeeze %dma_wait3A_423 : memref<1x256x32xf32, #tpu.memory_space<vmem>> -> memref<256x32xf32, #tpu.memory_space<vmem>>
      %dma_wait3A_425 = arith.constant 0 : i32
      %dma_wait3A_426 = arith.constant 0 : i32
      %dma_wait3A_427 = tpu.memref_slice %dma_wait3A_424[%dma_wait3A_425, %dma_wait3A_426] : memref<256x32xf32, #tpu.memory_space<vmem>> -> memref<128x32xf32, #tpu.memory_space<vmem>>
      %dma_wait3A_428 = arith.constant 0 : i32
      %dma_wait3A_429 = tpu.memref_slice %arg5[%dma_wait3A_419, %dma_wait3A_428] : memref<104x128xi32, #tpu.memory_space<vmem>> -> memref<1x128xi32, #tpu.memory_space<vmem>>
      %dma_wait3A_430 = tpu.memref_squeeze %dma_wait3A_429 : memref<1x128xi32, #tpu.memory_space<vmem>> -> memref<128xi32, #tpu.memory_space<vmem>>
      %dma_wait3A_431 = arith.constant 0 : i32
      %dma_wait3A_432 = arith.constant 0 : i32
      %dma_wait3A_433 = tpu.memref_slice %arg2[%dma_wait3A_431, %dma_wait3A_432] : memref<1000000x32xf32, #tpu.memory_space<hbm>> -> memref<1000000x32xf32, #tpu.memory_space<hbm>>
      tpu.wait_indirect_dma semaphore(%arg7 : memref<!tpu.dma_semaphore, #tpu.memory_space<semaphore_mem>>) src(%dma_wait3A_433 : memref<1000000x32xf32, #tpu.memory_space<hbm>>) dst(%dma_wait3A_427 : memref<128x32xf32, #tpu.memory_space<vmem>>)
      %dma_wait3A_434 = arith.constant 1 : i32
      %dma_wait3A_435 = arith.constant 0 : i32
      %dma_wait3A_436 = arith.constant 0 : i32
      %dma_wait3A_437 = arith.constant 0 : i32
      %dma_wait3A_438 = tpu.memref_slice %arg6[%dma_wait3A_435, %dma_wait3A_436, %dma_wait3A_437] : memref<4x256x32xf32, #tpu.memory_space<vmem>> -> memref<1x256x32xf32, #tpu.memory_space<vmem>>
      %dma_wait3A_439 = tpu.memref_squeeze %dma_wait3A_438 : memref<1x256x32xf32, #tpu.memory_space<vmem>> -> memref<256x32xf32, #tpu.memory_space<vmem>>
      %dma_wait3A_440 = arith.constant 128 : i32
      %dma_wait3A_441 = arith.constant 0 : i32
      %dma_wait3A_442 = tpu.memref_slice %dma_wait3A_439[%dma_wait3A_440, %dma_wait3A_441] : memref<256x32xf32, #tpu.memory_space<vmem>> -> memref<128x32xf32, #tpu.memory_space<vmem>>
      %dma_wait3A_443 = arith.constant 0 : i32
      %dma_wait3A_444 = tpu.memref_slice %arg5[%dma_wait3A_434, %dma_wait3A_443] : memref<104x128xi32, #tpu.memory_space<vmem>> -> memref<1x128xi32, #tpu.memory_space<vmem>>
      %dma_wait3A_445 = tpu.memref_squeeze %dma_wait3A_444 : memref<1x128xi32, #tpu.memory_space<vmem>> -> memref<128xi32, #tpu.memory_space<vmem>>
      %dma_wait3A_446 = arith.constant 0 : i32
      %dma_wait3A_447 = arith.constant 0 : i32
      %dma_wait3A_448 = tpu.memref_slice %arg2[%dma_wait3A_446, %dma_wait3A_447] : memref<1000000x32xf32, #tpu.memory_space<hbm>> -> memref<1000000x32xf32, #tpu.memory_space<hbm>>
      tpu.wait_indirect_dma semaphore(%arg7 : memref<!tpu.dma_semaphore, #tpu.memory_space<semaphore_mem>>) src(%dma_wait3A_448 : memref<1000000x32xf32, #tpu.memory_space<hbm>>) dst(%dma_wait3A_442 : memref<128x32xf32, #tpu.memory_space<vmem>>)
      %mul3A_449 = arith.constant 13312 : i32
      %mul3A_450 = arith.muli %add3A, %mul3A_449 : i32
      %mul3A_451 = arith.constant 256 : i32
      %mul3A_452 = arith.muli %add3A_418, %mul3A_451 : i32
      %add3A_453 = arith.addi %mul3A_450, %mul3A_452 : i32
      %dma_start3A_454 = arith.constant 0 : i32
      %dma_start3A_455 = arith.constant 0 : i32
      %dma_start3A_456 = arith.constant 0 : i32
      %dma_start3A_457 = tpu.memref_slice %arg6[%dma_start3A_454, %dma_start3A_455, %dma_start3A_456] : memref<4x256x32xf32, #tpu.memory_space<vmem>> -> memref<1x256x32xf32, #tpu.memory_space<vmem>>
      %dma_start3A_458 = tpu.memref_squeeze %dma_start3A_457 : memref<1x256x32xf32, #tpu.memory_space<vmem>> -> memref<256x32xf32, #tpu.memory_space<vmem>>
      %dma_start3A_459 = arith.constant 0 : i32
      %dma_start3A_460 = tpu.memref_slice %arg4[%add3A_453, %dma_start3A_459] : memref<425984x32xf32, #tpu.memory_space<hbm>> -> memref<256x32xf32, #tpu.memory_space<hbm>>
      %dma_start3A_461 = arith.constant 0 : i32
      %dma_start3A_462 = tpu.memref_slice %arg4[%add3A_453, %dma_start3A_461] : memref<425984x32xf32, #tpu.memory_space<hbm>> -> memref<256x32xf32, #tpu.memory_space<hbm>>
      %dma_start3A_463 = arith.constant 0 : i32
      %dma_start3A_464 = arith.constant 0 : i32
      %dma_start3A_465 = tpu.memref_slice %arg6[%dma_start3A_454, %dma_start3A_463, %dma_start3A_464] : memref<4x256x32xf32, #tpu.memory_space<vmem>> -> memref<1x256x32xf32, #tpu.memory_space<vmem>>
      %dma_start3A_466 = tpu.memref_squeeze %dma_start3A_465 : memref<1x256x32xf32, #tpu.memory_space<vmem>> -> memref<256x32xf32, #tpu.memory_space<vmem>>
      tpu.enqueue_dma source(%dma_start3A_466 : memref<256x32xf32, #tpu.memory_space<vmem>>) target(%dma_start3A_462 : memref<256x32xf32, #tpu.memory_space<hbm>>) target_semaphore(%arg11 : memref<!tpu.dma_semaphore, #tpu.memory_space<semaphore_mem>>)
      %mul3A_467 = arith.constant 4 : i32
      %mul3A_468 = arith.muli %scan3A_413, %mul3A_467 : i32
      %add3A_469 = arith.constant 1 : i32
      %add3A_470 = arith.addi %mul3A_468, %add3A_469 : i32
      %dma_wait3A_471 = arith.constant 0 : i32
      %dma_wait3A_472 = arith.constant 1 : i32
      %dma_wait3A_473 = arith.constant 0 : i32
      %dma_wait3A_474 = arith.constant 0 : i32
      %dma_wait3A_475 = tpu.memref_slice %arg6[%dma_wait3A_472, %dma_wait3A_473, %dma_wait3A_474] : memref<4x256x32xf32, #tpu.memory_space<vmem>> -> memref<1x256x32xf32, #tpu.memory_space<vmem>>
      %dma_wait3A_476 = tpu.memref_squeeze %dma_wait3A_475 : memref<1x256x32xf32, #tpu.memory_space<vmem>> -> memref<256x32xf32, #tpu.memory_space<vmem>>
      %dma_wait3A_477 = arith.constant 0 : i32
      %dma_wait3A_478 = arith.constant 0 : i32
      %dma_wait3A_479 = tpu.memref_slice %dma_wait3A_476[%dma_wait3A_477, %dma_wait3A_478] : memref<256x32xf32, #tpu.memory_space<vmem>> -> memref<128x32xf32, #tpu.memory_space<vmem>>
      %dma_wait3A_480 = arith.constant 0 : i32
      %dma_wait3A_481 = tpu.memref_slice %arg5[%dma_wait3A_471, %dma_wait3A_480] : memref<104x128xi32, #tpu.memory_space<vmem>> -> memref<1x128xi32, #tpu.memory_space<vmem>>
      %dma_wait3A_482 = tpu.memref_squeeze %dma_wait3A_481 : memref<1x128xi32, #tpu.memory_space<vmem>> -> memref<128xi32, #tpu.memory_space<vmem>>
      %dma_wait3A_483 = arith.constant 0 : i32
      %dma_wait3A_484 = arith.constant 0 : i32
      %dma_wait3A_485 = tpu.memref_slice %arg2[%dma_wait3A_483, %dma_wait3A_484] : memref<1000000x32xf32, #tpu.memory_space<hbm>> -> memref<1000000x32xf32, #tpu.memory_space<hbm>>
      tpu.wait_indirect_dma semaphore(%arg8 : memref<!tpu.dma_semaphore, #tpu.memory_space<semaphore_mem>>) src(%dma_wait3A_485 : memref<1000000x32xf32, #tpu.memory_space<hbm>>) dst(%dma_wait3A_479 : memref<128x32xf32, #tpu.memory_space<vmem>>)
      %dma_wait3A_486 = arith.constant 1 : i32
      %dma_wait3A_487 = arith.constant 1 : i32
      %dma_wait3A_488 = arith.constant 0 : i32
      %dma_wait3A_489 = arith.constant 0 : i32
      %dma_wait3A_490 = tpu.memref_slice %arg6[%dma_wait3A_487, %dma_wait3A_488, %dma_wait3A_489] : memref<4x256x32xf32, #tpu.memory_space<vmem>> -> memref<1x256x32xf32, #tpu.memory_space<vmem>>
      %dma_wait3A_491 = tpu.memref_squeeze %dma_wait3A_490 : memref<1x256x32xf32, #tpu.memory_space<vmem>> -> memref<256x32xf32, #tpu.memory_space<vmem>>
      %dma_wait3A_492 = arith.constant 128 : i32
      %dma_wait3A_493 = arith.constant 0 : i32
      %dma_wait3A_494 = tpu.memref_slice %dma_wait3A_491[%dma_wait3A_492, %dma_wait3A_493] : memref<256x32xf32, #tpu.memory_space<vmem>> -> memref<128x32xf32, #tpu.memory_space<vmem>>
      %dma_wait3A_495 = arith.constant 0 : i32
      %dma_wait3A_496 = tpu.memref_slice %arg5[%dma_wait3A_486, %dma_wait3A_495] : memref<104x128xi32, #tpu.memory_space<vmem>> -> memref<1x128xi32, #tpu.memory_space<vmem>>
      %dma_wait3A_497 = tpu.memref_squeeze %dma_wait3A_496 : memref<1x128xi32, #tpu.memory_space<vmem>> -> memref<128xi32, #tpu.memory_space<vmem>>
      %dma_wait3A_498 = arith.constant 0 : i32
      %dma_wait3A_499 = arith.constant 0 : i32
      %dma_wait3A_500 = tpu.memref_slice %arg2[%dma_wait3A_498, %dma_wait3A_499] : memref<1000000x32xf32, #tpu.memory_space<hbm>> -> memref<1000000x32xf32, #tpu.memory_space<hbm>>
      tpu.wait_indirect_dma semaphore(%arg8 : memref<!tpu.dma_semaphore, #tpu.memory_space<semaphore_mem>>) src(%dma_wait3A_500 : memref<1000000x32xf32, #tpu.memory_space<hbm>>) dst(%dma_wait3A_494 : memref<128x32xf32, #tpu.memory_space<vmem>>)
      %mul3A_501 = arith.constant 13312 : i32
      %mul3A_502 = arith.muli %add3A, %mul3A_501 : i32
      %mul3A_503 = arith.constant 256 : i32
      %mul3A_504 = arith.muli %add3A_470, %mul3A_503 : i32
      %add3A_505 = arith.addi %mul3A_502, %mul3A_504 : i32
      %dma_start3A_506 = arith.constant 1 : i32
      %dma_start3A_507 = arith.constant 0 : i32
      %dma_start3A_508 = arith.constant 0 : i32
      %dma_start3A_509 = tpu.memref_slice %arg6[%dma_start3A_506, %dma_start3A_507, %dma_start3A_508] : memref<4x256x32xf32, #tpu.memory_space<vmem>> -> memref<1x256x32xf32, #tpu.memory_space<vmem>>
      %dma_start3A_510 = tpu.memref_squeeze %dma_start3A_509 : memref<1x256x32xf32, #tpu.memory_space<vmem>> -> memref<256x32xf32, #tpu.memory_space<vmem>>
      %dma_start3A_511 = arith.constant 0 : i32
      %dma_start3A_512 = tpu.memref_slice %arg4[%add3A_505, %dma_start3A_511] : memref<425984x32xf32, #tpu.memory_space<hbm>> -> memref<256x32xf32, #tpu.memory_space<hbm>>
      %dma_start3A_513 = arith.constant 0 : i32
      %dma_start3A_514 = tpu.memref_slice %arg4[%add3A_505, %dma_start3A_513] : memref<425984x32xf32, #tpu.memory_space<hbm>> -> memref<256x32xf32, #tpu.memory_space<hbm>>
      %dma_start3A_515 = arith.constant 0 : i32
      %dma_start3A_516 = arith.constant 0 : i32
      %dma_start3A_517 = tpu.memref_slice %arg6[%dma_start3A_506, %dma_start3A_515, %dma_start3A_516] : memref<4x256x32xf32, #tpu.memory_space<vmem>> -> memref<1x256x32xf32, #tpu.memory_space<vmem>>
      %dma_start3A_518 = tpu.memref_squeeze %dma_start3A_517 : memref<1x256x32xf32, #tpu.memory_space<vmem>> -> memref<256x32xf32, #tpu.memory_space<vmem>>
      tpu.enqueue_dma source(%dma_start3A_518 : memref<256x32xf32, #tpu.memory_space<vmem>>) target(%dma_start3A_514 : memref<256x32xf32, #tpu.memory_space<hbm>>) target_semaphore(%arg12 : memref<!tpu.dma_semaphore, #tpu.memory_space<semaphore_mem>>)
      %mul3A_519 = arith.constant 4 : i32
      %mul3A_520 = arith.muli %scan3A_413, %mul3A_519 : i32
      %add3A_521 = arith.constant 2 : i32
      %add3A_522 = arith.addi %mul3A_520, %add3A_521 : i32
      %dma_wait3A_523 = arith.constant 0 : i32
      %dma_wait3A_524 = arith.constant 2 : i32
      %dma_wait3A_525 = arith.constant 0 : i32
      %dma_wait3A_526 = arith.constant 0 : i32
      %dma_wait3A_527 = tpu.memref_slice %arg6[%dma_wait3A_524, %dma_wait3A_525, %dma_wait3A_526] : memref<4x256x32xf32, #tpu.memory_space<vmem>> -> memref<1x256x32xf32, #tpu.memory_space<vmem>>
      %dma_wait3A_528 = tpu.memref_squeeze %dma_wait3A_527 : memref<1x256x32xf32, #tpu.memory_space<vmem>> -> memref<256x32xf32, #tpu.memory_space<vmem>>
      %dma_wait3A_529 = arith.constant 0 : i32
      %dma_wait3A_530 = arith.constant 0 : i32
      %dma_wait3A_531 = tpu.memref_slice %dma_wait3A_528[%dma_wait3A_529, %dma_wait3A_530] : memref<256x32xf32, #tpu.memory_space<vmem>> -> memref<128x32xf32, #tpu.memory_space<vmem>>
      %dma_wait3A_532 = arith.constant 0 : i32
      %dma_wait3A_533 = tpu.memref_slice %arg5[%dma_wait3A_523, %dma_wait3A_532] : memref<104x128xi32, #tpu.memory_space<vmem>> -> memref<1x128xi32, #tpu.memory_space<vmem>>
      %dma_wait3A_534 = tpu.memref_squeeze %dma_wait3A_533 : memref<1x128xi32, #tpu.memory_space<vmem>> -> memref<128xi32, #tpu.memory_space<vmem>>
      %dma_wait3A_535 = arith.constant 0 : i32
      %dma_wait3A_536 = arith.constant 0 : i32
      %dma_wait3A_537 = tpu.memref_slice %arg2[%dma_wait3A_535, %dma_wait3A_536] : memref<1000000x32xf32, #tpu.memory_space<hbm>> -> memref<1000000x32xf32, #tpu.memory_space<hbm>>
      tpu.wait_indirect_dma semaphore(%arg9 : memref<!tpu.dma_semaphore, #tpu.memory_space<semaphore_mem>>) src(%dma_wait3A_537 : memref<1000000x32xf32, #tpu.memory_space<hbm>>) dst(%dma_wait3A_531 : memref<128x32xf32, #tpu.memory_space<vmem>>)
      %dma_wait3A_538 = arith.constant 1 : i32
      %dma_wait3A_539 = arith.constant 2 : i32
      %dma_wait3A_540 = arith.constant 0 : i32
      %dma_wait3A_541 = arith.constant 0 : i32
      %dma_wait3A_542 = tpu.memref_slice %arg6[%dma_wait3A_539, %dma_wait3A_540, %dma_wait3A_541] : memref<4x256x32xf32, #tpu.memory_space<vmem>> -> memref<1x256x32xf32, #tpu.memory_space<vmem>>
      %dma_wait3A_543 = tpu.memref_squeeze %dma_wait3A_542 : memref<1x256x32xf32, #tpu.memory_space<vmem>> -> memref<256x32xf32, #tpu.memory_space<vmem>>
      %dma_wait3A_544 = arith.constant 128 : i32
      %dma_wait3A_545 = arith.constant 0 : i32
      %dma_wait3A_546 = tpu.memref_slice %dma_wait3A_543[%dma_wait3A_544, %dma_wait3A_545] : memref<256x32xf32, #tpu.memory_space<vmem>> -> memref<128x32xf32, #tpu.memory_space<vmem>>
      %dma_wait3A_547 = arith.constant 0 : i32
      %dma_wait3A_548 = tpu.memref_slice %arg5[%dma_wait3A_538, %dma_wait3A_547] : memref<104x128xi32, #tpu.memory_space<vmem>> -> memref<1x128xi32, #tpu.memory_space<vmem>>
      %dma_wait3A_549 = tpu.memref_squeeze %dma_wait3A_548 : memref<1x128xi32, #tpu.memory_space<vmem>> -> memref<128xi32, #tpu.memory_space<vmem>>
      %dma_wait3A_550 = arith.constant 0 : i32
      %dma_wait3A_551 = arith.constant 0 : i32
      %dma_wait3A_552 = tpu.memref_slice %arg2[%dma_wait3A_550, %dma_wait3A_551] : memref<1000000x32xf32, #tpu.memory_space<hbm>> -> memref<1000000x32xf32, #tpu.memory_space<hbm>>
      tpu.wait_indirect_dma semaphore(%arg9 : memref<!tpu.dma_semaphore, #tpu.memory_space<semaphore_mem>>) src(%dma_wait3A_552 : memref<1000000x32xf32, #tpu.memory_space<hbm>>) dst(%dma_wait3A_546 : memref<128x32xf32, #tpu.memory_space<vmem>>)
      %mul3A_553 = arith.constant 13312 : i32
      %mul3A_554 = arith.muli %add3A, %mul3A_553 : i32
      %mul3A_555 = arith.constant 256 : i32
      %mul3A_556 = arith.muli %add3A_522, %mul3A_555 : i32
      %add3A_557 = arith.addi %mul3A_554, %mul3A_556 : i32
      %dma_start3A_558 = arith.constant 2 : i32
      %dma_start3A_559 = arith.constant 0 : i32
      %dma_start3A_560 = arith.constant 0 : i32
      %dma_start3A_561 = tpu.memref_slice %arg6[%dma_start3A_558, %dma_start3A_559, %dma_start3A_560] : memref<4x256x32xf32, #tpu.memory_space<vmem>> -> memref<1x256x32xf32, #tpu.memory_space<vmem>>
      %dma_start3A_562 = tpu.memref_squeeze %dma_start3A_561 : memref<1x256x32xf32, #tpu.memory_space<vmem>> -> memref<256x32xf32, #tpu.memory_space<vmem>>
      %dma_start3A_563 = arith.constant 0 : i32
      %dma_start3A_564 = tpu.memref_slice %arg4[%add3A_557, %dma_start3A_563] : memref<425984x32xf32, #tpu.memory_space<hbm>> -> memref<256x32xf32, #tpu.memory_space<hbm>>
      %dma_start3A_565 = arith.constant 0 : i32
      %dma_start3A_566 = tpu.memref_slice %arg4[%add3A_557, %dma_start3A_565] : memref<425984x32xf32, #tpu.memory_space<hbm>> -> memref<256x32xf32, #tpu.memory_space<hbm>>
      %dma_start3A_567 = arith.constant 0 : i32
      %dma_start3A_568 = arith.constant 0 : i32
      %dma_start3A_569 = tpu.memref_slice %arg6[%dma_start3A_558, %dma_start3A_567, %dma_start3A_568] : memref<4x256x32xf32, #tpu.memory_space<vmem>> -> memref<1x256x32xf32, #tpu.memory_space<vmem>>
      %dma_start3A_570 = tpu.memref_squeeze %dma_start3A_569 : memref<1x256x32xf32, #tpu.memory_space<vmem>> -> memref<256x32xf32, #tpu.memory_space<vmem>>
      tpu.enqueue_dma source(%dma_start3A_570 : memref<256x32xf32, #tpu.memory_space<vmem>>) target(%dma_start3A_566 : memref<256x32xf32, #tpu.memory_space<hbm>>) target_semaphore(%arg13 : memref<!tpu.dma_semaphore, #tpu.memory_space<semaphore_mem>>)
      %mul3A_571 = arith.constant 4 : i32
      %mul3A_572 = arith.muli %scan3A_413, %mul3A_571 : i32
      %add3A_573 = arith.constant 3 : i32
      %add3A_574 = arith.addi %mul3A_572, %add3A_573 : i32
      %dma_wait3A_575 = arith.constant 0 : i32
      %dma_wait3A_576 = arith.constant 3 : i32
      %dma_wait3A_577 = arith.constant 0 : i32
      %dma_wait3A_578 = arith.constant 0 : i32
      %dma_wait3A_579 = tpu.memref_slice %arg6[%dma_wait3A_576, %dma_wait3A_577, %dma_wait3A_578] : memref<4x256x32xf32, #tpu.memory_space<vmem>> -> memref<1x256x32xf32, #tpu.memory_space<vmem>>
      %dma_wait3A_580 = tpu.memref_squeeze %dma_wait3A_579 : memref<1x256x32xf32, #tpu.memory_space<vmem>> -> memref<256x32xf32, #tpu.memory_space<vmem>>
      %dma_wait3A_581 = arith.constant 0 : i32
      %dma_wait3A_582 = arith.constant 0 : i32
      %dma_wait3A_583 = tpu.memref_slice %dma_wait3A_580[%dma_wait3A_581, %dma_wait3A_582] : memref<256x32xf32, #tpu.memory_space<vmem>> -> memref<128x32xf32, #tpu.memory_space<vmem>>
      %dma_wait3A_584 = arith.constant 0 : i32
      %dma_wait3A_585 = tpu.memref_slice %arg5[%dma_wait3A_575, %dma_wait3A_584] : memref<104x128xi32, #tpu.memory_space<vmem>> -> memref<1x128xi32, #tpu.memory_space<vmem>>
      %dma_wait3A_586 = tpu.memref_squeeze %dma_wait3A_585 : memref<1x128xi32, #tpu.memory_space<vmem>> -> memref<128xi32, #tpu.memory_space<vmem>>
      %dma_wait3A_587 = arith.constant 0 : i32
      %dma_wait3A_588 = arith.constant 0 : i32
      %dma_wait3A_589 = tpu.memref_slice %arg2[%dma_wait3A_587, %dma_wait3A_588] : memref<1000000x32xf32, #tpu.memory_space<hbm>> -> memref<1000000x32xf32, #tpu.memory_space<hbm>>
      tpu.wait_indirect_dma semaphore(%arg10 : memref<!tpu.dma_semaphore, #tpu.memory_space<semaphore_mem>>) src(%dma_wait3A_589 : memref<1000000x32xf32, #tpu.memory_space<hbm>>) dst(%dma_wait3A_583 : memref<128x32xf32, #tpu.memory_space<vmem>>)
      %dma_wait3A_590 = arith.constant 1 : i32
      %dma_wait3A_591 = arith.constant 3 : i32
      %dma_wait3A_592 = arith.constant 0 : i32
      %dma_wait3A_593 = arith.constant 0 : i32
      %dma_wait3A_594 = tpu.memref_slice %arg6[%dma_wait3A_591, %dma_wait3A_592, %dma_wait3A_593] : memref<4x256x32xf32, #tpu.memory_space<vmem>> -> memref<1x256x32xf32, #tpu.memory_space<vmem>>
      %dma_wait3A_595 = tpu.memref_squeeze %dma_wait3A_594 : memref<1x256x32xf32, #tpu.memory_space<vmem>> -> memref<256x32xf32, #tpu.memory_space<vmem>>
      %dma_wait3A_596 = arith.constant 128 : i32
      %dma_wait3A_597 = arith.constant 0 : i32
      %dma_wait3A_598 = tpu.memref_slice %dma_wait3A_595[%dma_wait3A_596, %dma_wait3A_597] : memref<256x32xf32, #tpu.memory_space<vmem>> -> memref<128x32xf32, #tpu.memory_space<vmem>>
      %dma_wait3A_599 = arith.constant 0 : i32
      %dma_wait3A_600 = tpu.memref_slice %arg5[%dma_wait3A_590, %dma_wait3A_599] : memref<104x128xi32, #tpu.memory_space<vmem>> -> memref<1x128xi32, #tpu.memory_space<vmem>>
      %dma_wait3A_601 = tpu.memref_squeeze %dma_wait3A_600 : memref<1x128xi32, #tpu.memory_space<vmem>> -> memref<128xi32, #tpu.memory_space<vmem>>
      %dma_wait3A_602 = arith.constant 0 : i32
      %dma_wait3A_603 = arith.constant 0 : i32
      %dma_wait3A_604 = tpu.memref_slice %arg2[%dma_wait3A_602, %dma_wait3A_603] : memref<1000000x32xf32, #tpu.memory_space<hbm>> -> memref<1000000x32xf32, #tpu.memory_space<hbm>>
      tpu.wait_indirect_dma semaphore(%arg10 : memref<!tpu.dma_semaphore, #tpu.memory_space<semaphore_mem>>) src(%dma_wait3A_604 : memref<1000000x32xf32, #tpu.memory_space<hbm>>) dst(%dma_wait3A_598 : memref<128x32xf32, #tpu.memory_space<vmem>>)
      %mul3A_605 = arith.constant 13312 : i32
      %mul3A_606 = arith.muli %add3A, %mul3A_605 : i32
      %mul3A_607 = arith.constant 256 : i32
      %mul3A_608 = arith.muli %add3A_574, %mul3A_607 : i32
      %add3A_609 = arith.addi %mul3A_606, %mul3A_608 : i32
      %dma_start3A_610 = arith.constant 3 : i32
      %dma_start3A_611 = arith.constant 0 : i32
      %dma_start3A_612 = arith.constant 0 : i32
      %dma_start3A_613 = tpu.memref_slice %arg6[%dma_start3A_610, %dma_start3A_611, %dma_start3A_612] : memref<4x256x32xf32, #tpu.memory_space<vmem>> -> memref<1x256x32xf32, #tpu.memory_space<vmem>>
      %dma_start3A_614 = tpu.memref_squeeze %dma_start3A_613 : memref<1x256x32xf32, #tpu.memory_space<vmem>> -> memref<256x32xf32, #tpu.memory_space<vmem>>
      %dma_start3A_615 = arith.constant 0 : i32
      %dma_start3A_616 = tpu.memref_slice %arg4[%add3A_609, %dma_start3A_615] : memref<425984x32xf32, #tpu.memory_space<hbm>> -> memref<256x32xf32, #tpu.memory_space<hbm>>
      %dma_start3A_617 = arith.constant 0 : i32
      %dma_start3A_618 = tpu.memref_slice %arg4[%add3A_609, %dma_start3A_617] : memref<425984x32xf32, #tpu.memory_space<hbm>> -> memref<256x32xf32, #tpu.memory_space<hbm>>
      %dma_start3A_619 = arith.constant 0 : i32
      %dma_start3A_620 = arith.constant 0 : i32
      %dma_start3A_621 = tpu.memref_slice %arg6[%dma_start3A_610, %dma_start3A_619, %dma_start3A_620] : memref<4x256x32xf32, #tpu.memory_space<vmem>> -> memref<1x256x32xf32, #tpu.memory_space<vmem>>
      %dma_start3A_622 = tpu.memref_squeeze %dma_start3A_621 : memref<1x256x32xf32, #tpu.memory_space<vmem>> -> memref<256x32xf32, #tpu.memory_space<vmem>>
      tpu.enqueue_dma source(%dma_start3A_622 : memref<256x32xf32, #tpu.memory_space<vmem>>) target(%dma_start3A_618 : memref<256x32xf32, #tpu.memory_space<hbm>>) target_semaphore(%arg14 : memref<!tpu.dma_semaphore, #tpu.memory_space<semaphore_mem>>)
      %add3A_623 = arith.constant 1 : i32
      %add3A_624 = arith.addi %scan3A_413, %add3A_623 : i32
      %mul3A_625 = arith.constant 4 : i32
      %mul3A_626 = arith.muli %add3A_624, %mul3A_625 : i32
      %add3A_627 = arith.constant 0 : i32
      %add3A_628 = arith.addi %mul3A_626, %add3A_627 : i32
      %mul3A_629 = arith.constant 13312 : i32
      %mul3A_630 = arith.muli %add3A, %mul3A_629 : i32
      %dma_wait3A_631 = arith.constant 0 : i32
      %dma_wait3A_632 = arith.constant 0 : i32
      %dma_wait3A_633 = arith.constant 0 : i32
      %dma_wait3A_634 = tpu.memref_slice %arg6[%dma_wait3A_631, %dma_wait3A_632, %dma_wait3A_633] : memref<4x256x32xf32, #tpu.memory_space<vmem>> -> memref<1x256x32xf32, #tpu.memory_space<vmem>>
      %dma_wait3A_635 = tpu.memref_squeeze %dma_wait3A_634 : memref<1x256x32xf32, #tpu.memory_space<vmem>> -> memref<256x32xf32, #tpu.memory_space<vmem>>
      %dma_wait3A_636 = arith.constant 0 : i32
      %dma_wait3A_637 = tpu.memref_slice %arg4[%mul3A_630, %dma_wait3A_636] : memref<425984x32xf32, #tpu.memory_space<hbm>> -> memref<256x32xf32, #tpu.memory_space<hbm>>
      %dma_wait3A_638 = arith.constant 0 : i32
      %dma_wait3A_639 = tpu.memref_slice %arg4[%mul3A_630, %dma_wait3A_638] : memref<425984x32xf32, #tpu.memory_space<hbm>> -> memref<256x32xf32, #tpu.memory_space<hbm>>
      %dma_wait3A_640 = arith.constant 0 : i32
      %dma_wait3A_641 = arith.constant 0 : i32
      %dma_wait3A_642 = tpu.memref_slice %arg6[%dma_wait3A_631, %dma_wait3A_640, %dma_wait3A_641] : memref<4x256x32xf32, #tpu.memory_space<vmem>> -> memref<1x256x32xf32, #tpu.memory_space<vmem>>
      %dma_wait3A_643 = tpu.memref_squeeze %dma_wait3A_642 : memref<1x256x32xf32, #tpu.memory_space<vmem>> -> memref<256x32xf32, #tpu.memory_space<vmem>>
      tpu.wait_dma2 semaphore(%arg11 : memref<!tpu.dma_semaphore, #tpu.memory_space<semaphore_mem>>) src(%dma_wait3A_643 : memref<256x32xf32, #tpu.memory_space<vmem>>) dst(%dma_wait3A_639 : memref<256x32xf32, #tpu.memory_space<hbm>>)
      %mul3A_644 = arith.constant 2 : i32
      %mul3A_645 = arith.muli %add3A_628, %mul3A_644 : i32
      %add3A_646 = arith.constant 0 : i32
      %add3A_647 = arith.addi %mul3A_645, %add3A_646 : i32
      %dma_start3A_648 = arith.constant 0 : i32
      %dma_start3A_649 = arith.constant 0 : i32
      %dma_start3A_650 = arith.constant 0 : i32
      %dma_start3A_651 = tpu.memref_slice %arg6[%dma_start3A_648, %dma_start3A_649, %dma_start3A_650] : memref<4x256x32xf32, #tpu.memory_space<vmem>> -> memref<1x256x32xf32, #tpu.memory_space<vmem>>
      %dma_start3A_652 = tpu.memref_squeeze %dma_start3A_651 : memref<1x256x32xf32, #tpu.memory_space<vmem>> -> memref<256x32xf32, #tpu.memory_space<vmem>>
      %dma_start3A_653 = arith.constant 0 : i32
      %dma_start3A_654 = arith.constant 0 : i32
      %dma_start3A_655 = tpu.memref_slice %dma_start3A_652[%dma_start3A_653, %dma_start3A_654] : memref<256x32xf32, #tpu.memory_space<vmem>> -> memref<128x32xf32, #tpu.memory_space<vmem>>
      %dma_start3A_656 = arith.constant 0 : i32
      %dma_start3A_657 = tpu.memref_slice %arg5[%add3A_647, %dma_start3A_656] : memref<104x128xi32, #tpu.memory_space<vmem>> -> memref<1x128xi32, #tpu.memory_space<vmem>>
      %dma_start3A_658 = tpu.memref_squeeze %dma_start3A_657 : memref<1x128xi32, #tpu.memory_space<vmem>> -> memref<128xi32, #tpu.memory_space<vmem>>
      %dma_start3A_659 = arith.constant 0 : i32
      %dma_start3A_660 = arith.constant 0 : i32
      %dma_start3A_661 = tpu.memref_slice %arg2[%dma_start3A_659, %dma_start3A_660] : memref<1000000x32xf32, #tpu.memory_space<hbm>> -> memref<1000000x32xf32, #tpu.memory_space<hbm>>
      tpu.enqueue_indirect_dma source(%dma_start3A_661 : memref<1000000x32xf32, #tpu.memory_space<hbm>>) target(%dma_start3A_655 : memref<128x32xf32, #tpu.memory_space<vmem>>) offsets(%dma_start3A_658 : memref<128xi32, #tpu.memory_space<vmem>>) semaphore(%arg7 : memref<!tpu.dma_semaphore, #tpu.memory_space<semaphore_mem>>)
      %mul3A_662 = arith.constant 2 : i32
      %mul3A_663 = arith.muli %add3A_628, %mul3A_662 : i32
      %add3A_664 = arith.constant 1 : i32
      %add3A_665 = arith.addi %mul3A_663, %add3A_664 : i32
      %dma_start3A_666 = arith.constant 0 : i32
      %dma_start3A_667 = arith.constant 0 : i32
      %dma_start3A_668 = arith.constant 0 : i32
      %dma_start3A_669 = tpu.memref_slice %arg6[%dma_start3A_666, %dma_start3A_667, %dma_start3A_668] : memref<4x256x32xf32, #tpu.memory_space<vmem>> -> memref<1x256x32xf32, #tpu.memory_space<vmem>>
      %dma_start3A_670 = tpu.memref_squeeze %dma_start3A_669 : memref<1x256x32xf32, #tpu.memory_space<vmem>> -> memref<256x32xf32, #tpu.memory_space<vmem>>
      %dma_start3A_671 = arith.constant 128 : i32
      %dma_start3A_672 = arith.constant 0 : i32
      %dma_start3A_673 = tpu.memref_slice %dma_start3A_670[%dma_start3A_671, %dma_start3A_672] : memref<256x32xf32, #tpu.memory_space<vmem>> -> memref<128x32xf32, #tpu.memory_space<vmem>>
      %dma_start3A_674 = arith.constant 0 : i32
      %dma_start3A_675 = tpu.memref_slice %arg5[%add3A_665, %dma_start3A_674] : memref<104x128xi32, #tpu.memory_space<vmem>> -> memref<1x128xi32, #tpu.memory_space<vmem>>
      %dma_start3A_676 = tpu.memref_squeeze %dma_start3A_675 : memref<1x128xi32, #tpu.memory_space<vmem>> -> memref<128xi32, #tpu.memory_space<vmem>>
      %dma_start3A_677 = arith.constant 0 : i32
      %dma_start3A_678 = arith.constant 0 : i32
      %dma_start3A_679 = tpu.memref_slice %arg2[%dma_start3A_677, %dma_start3A_678] : memref<1000000x32xf32, #tpu.memory_space<hbm>> -> memref<1000000x32xf32, #tpu.memory_space<hbm>>
      tpu.enqueue_indirect_dma source(%dma_start3A_679 : memref<1000000x32xf32, #tpu.memory_space<hbm>>) target(%dma_start3A_673 : memref<128x32xf32, #tpu.memory_space<vmem>>) offsets(%dma_start3A_676 : memref<128xi32, #tpu.memory_space<vmem>>) semaphore(%arg7 : memref<!tpu.dma_semaphore, #tpu.memory_space<semaphore_mem>>)
      %add3A_680 = arith.constant 1 : i32
      %add3A_681 = arith.addi %scan3A_413, %add3A_680 : i32
      %mul3A_682 = arith.constant 4 : i32
      %mul3A_683 = arith.muli %add3A_681, %mul3A_682 : i32
      %add3A_684 = arith.constant 1 : i32
      %add3A_685 = arith.addi %mul3A_683, %add3A_684 : i32
      %mul3A_686 = arith.constant 13312 : i32
      %mul3A_687 = arith.muli %add3A, %mul3A_686 : i32
      %dma_wait3A_688 = arith.constant 1 : i32
      %dma_wait3A_689 = arith.constant 0 : i32
      %dma_wait3A_690 = arith.constant 0 : i32
      %dma_wait3A_691 = tpu.memref_slice %arg6[%dma_wait3A_688, %dma_wait3A_689, %dma_wait3A_690] : memref<4x256x32xf32, #tpu.memory_space<vmem>> -> memref<1x256x32xf32, #tpu.memory_space<vmem>>
      %dma_wait3A_692 = tpu.memref_squeeze %dma_wait3A_691 : memref<1x256x32xf32, #tpu.memory_space<vmem>> -> memref<256x32xf32, #tpu.memory_space<vmem>>
      %dma_wait3A_693 = arith.constant 0 : i32
      %dma_wait3A_694 = tpu.memref_slice %arg4[%mul3A_687, %dma_wait3A_693] : memref<425984x32xf32, #tpu.memory_space<hbm>> -> memref<256x32xf32, #tpu.memory_space<hbm>>
      %dma_wait3A_695 = arith.constant 0 : i32
      %dma_wait3A_696 = tpu.memref_slice %arg4[%mul3A_687, %dma_wait3A_695] : memref<425984x32xf32, #tpu.memory_space<hbm>> -> memref<256x32xf32, #tpu.memory_space<hbm>>
      %dma_wait3A_697 = arith.constant 0 : i32
      %dma_wait3A_698 = arith.constant 0 : i32
      %dma_wait3A_699 = tpu.memref_slice %arg6[%dma_wait3A_688, %dma_wait3A_697, %dma_wait3A_698] : memref<4x256x32xf32, #tpu.memory_space<vmem>> -> memref<1x256x32xf32, #tpu.memory_space<vmem>>
      %dma_wait3A_700 = tpu.memref_squeeze %dma_wait3A_699 : memref<1x256x32xf32, #tpu.memory_space<vmem>> -> memref<256x32xf32, #tpu.memory_space<vmem>>
      tpu.wait_dma2 semaphore(%arg12 : memref<!tpu.dma_semaphore, #tpu.memory_space<semaphore_mem>>) src(%dma_wait3A_700 : memref<256x32xf32, #tpu.memory_space<vmem>>) dst(%dma_wait3A_696 : memref<256x32xf32, #tpu.memory_space<hbm>>)
      %mul3A_701 = arith.constant 2 : i32
      %mul3A_702 = arith.muli %add3A_685, %mul3A_701 : i32
      %add3A_703 = arith.constant 0 : i32
      %add3A_704 = arith.addi %mul3A_702, %add3A_703 : i32
      %dma_start3A_705 = arith.constant 1 : i32
      %dma_start3A_706 = arith.constant 0 : i32
      %dma_start3A_707 = arith.constant 0 : i32
      %dma_start3A_708 = tpu.memref_slice %arg6[%dma_start3A_705, %dma_start3A_706, %dma_start3A_707] : memref<4x256x32xf32, #tpu.memory_space<vmem>> -> memref<1x256x32xf32, #tpu.memory_space<vmem>>
      %dma_start3A_709 = tpu.memref_squeeze %dma_start3A_708 : memref<1x256x32xf32, #tpu.memory_space<vmem>> -> memref<256x32xf32, #tpu.memory_space<vmem>>
      %dma_start3A_710 = arith.constant 0 : i32
      %dma_start3A_711 = arith.constant 0 : i32
      %dma_start3A_712 = tpu.memref_slice %dma_start3A_709[%dma_start3A_710, %dma_start3A_711] : memref<256x32xf32, #tpu.memory_space<vmem>> -> memref<128x32xf32, #tpu.memory_space<vmem>>
      %dma_start3A_713 = arith.constant 0 : i32
      %dma_start3A_714 = tpu.memref_slice %arg5[%add3A_704, %dma_start3A_713] : memref<104x128xi32, #tpu.memory_space<vmem>> -> memref<1x128xi32, #tpu.memory_space<vmem>>
      %dma_start3A_715 = tpu.memref_squeeze %dma_start3A_714 : memref<1x128xi32, #tpu.memory_space<vmem>> -> memref<128xi32, #tpu.memory_space<vmem>>
      %dma_start3A_716 = arith.constant 0 : i32
      %dma_start3A_717 = arith.constant 0 : i32
      %dma_start3A_718 = tpu.memref_slice %arg2[%dma_start3A_716, %dma_start3A_717] : memref<1000000x32xf32, #tpu.memory_space<hbm>> -> memref<1000000x32xf32, #tpu.memory_space<hbm>>
      tpu.enqueue_indirect_dma source(%dma_start3A_718 : memref<1000000x32xf32, #tpu.memory_space<hbm>>) target(%dma_start3A_712 : memref<128x32xf32, #tpu.memory_space<vmem>>) offsets(%dma_start3A_715 : memref<128xi32, #tpu.memory_space<vmem>>) semaphore(%arg8 : memref<!tpu.dma_semaphore, #tpu.memory_space<semaphore_mem>>)
      %mul3A_719 = arith.constant 2 : i32
      %mul3A_720 = arith.muli %add3A_685, %mul3A_719 : i32
      %add3A_721 = arith.constant 1 : i32
      %add3A_722 = arith.addi %mul3A_720, %add3A_721 : i32
      %dma_start3A_723 = arith.constant 1 : i32
      %dma_start3A_724 = arith.constant 0 : i32
      %dma_start3A_725 = arith.constant 0 : i32
      %dma_start3A_726 = tpu.memref_slice %arg6[%dma_start3A_723, %dma_start3A_724, %dma_start3A_725] : memref<4x256x32xf32, #tpu.memory_space<vmem>> -> memref<1x256x32xf32, #tpu.memory_space<vmem>>
      %dma_start3A_727 = tpu.memref_squeeze %dma_start3A_726 : memref<1x256x32xf32, #tpu.memory_space<vmem>> -> memref<256x32xf32, #tpu.memory_space<vmem>>
      %dma_start3A_728 = arith.constant 128 : i32
      %dma_start3A_729 = arith.constant 0 : i32
      %dma_start3A_730 = tpu.memref_slice %dma_start3A_727[%dma_start3A_728, %dma_start3A_729] : memref<256x32xf32, #tpu.memory_space<vmem>> -> memref<128x32xf32, #tpu.memory_space<vmem>>
      %dma_start3A_731 = arith.constant 0 : i32
      %dma_start3A_732 = tpu.memref_slice %arg5[%add3A_722, %dma_start3A_731] : memref<104x128xi32, #tpu.memory_space<vmem>> -> memref<1x128xi32, #tpu.memory_space<vmem>>
      %dma_start3A_733 = tpu.memref_squeeze %dma_start3A_732 : memref<1x128xi32, #tpu.memory_space<vmem>> -> memref<128xi32, #tpu.memory_space<vmem>>
      %dma_start3A_734 = arith.constant 0 : i32
      %dma_start3A_735 = arith.constant 0 : i32
      %dma_start3A_736 = tpu.memref_slice %arg2[%dma_start3A_734, %dma_start3A_735] : memref<1000000x32xf32, #tpu.memory_space<hbm>> -> memref<1000000x32xf32, #tpu.memory_space<hbm>>
      tpu.enqueue_indirect_dma source(%dma_start3A_736 : memref<1000000x32xf32, #tpu.memory_space<hbm>>) target(%dma_start3A_730 : memref<128x32xf32, #tpu.memory_space<vmem>>) offsets(%dma_start3A_733 : memref<128xi32, #tpu.memory_space<vmem>>) semaphore(%arg8 : memref<!tpu.dma_semaphore, #tpu.memory_space<semaphore_mem>>)
      %add3A_737 = arith.constant 1 : i32
      %add3A_738 = arith.addi %scan3A_413, %add3A_737 : i32
      %mul3A_739 = arith.constant 4 : i32
      %mul3A_740 = arith.muli %add3A_738, %mul3A_739 : i32
      %add3A_741 = arith.constant 2 : i32
      %add3A_742 = arith.addi %mul3A_740, %add3A_741 : i32
      %mul3A_743 = arith.constant 13312 : i32
      %mul3A_744 = arith.muli %add3A, %mul3A_743 : i32
      %dma_wait3A_745 = arith.constant 2 : i32
      %dma_wait3A_746 = arith.constant 0 : i32
      %dma_wait3A_747 = arith.constant 0 : i32
      %dma_wait3A_748 = tpu.memref_slice %arg6[%dma_wait3A_745, %dma_wait3A_746, %dma_wait3A_747] : memref<4x256x32xf32, #tpu.memory_space<vmem>> -> memref<1x256x32xf32, #tpu.memory_space<vmem>>
      %dma_wait3A_749 = tpu.memref_squeeze %dma_wait3A_748 : memref<1x256x32xf32, #tpu.memory_space<vmem>> -> memref<256x32xf32, #tpu.memory_space<vmem>>
      %dma_wait3A_750 = arith.constant 0 : i32
      %dma_wait3A_751 = tpu.memref_slice %arg4[%mul3A_744, %dma_wait3A_750] : memref<425984x32xf32, #tpu.memory_space<hbm>> -> memref<256x32xf32, #tpu.memory_space<hbm>>
      %dma_wait3A_752 = arith.constant 0 : i32
      %dma_wait3A_753 = tpu.memref_slice %arg4[%mul3A_744, %dma_wait3A_752] : memref<425984x32xf32, #tpu.memory_space<hbm>> -> memref<256x32xf32, #tpu.memory_space<hbm>>
      %dma_wait3A_754 = arith.constant 0 : i32
      %dma_wait3A_755 = arith.constant 0 : i32
      %dma_wait3A_756 = tpu.memref_slice %arg6[%dma_wait3A_745, %dma_wait3A_754, %dma_wait3A_755] : memref<4x256x32xf32, #tpu.memory_space<vmem>> -> memref<1x256x32xf32, #tpu.memory_space<vmem>>
      %dma_wait3A_757 = tpu.memref_squeeze %dma_wait3A_756 : memref<1x256x32xf32, #tpu.memory_space<vmem>> -> memref<256x32xf32, #tpu.memory_space<vmem>>
      tpu.wait_dma2 semaphore(%arg13 : memref<!tpu.dma_semaphore, #tpu.memory_space<semaphore_mem>>) src(%dma_wait3A_757 : memref<256x32xf32, #tpu.memory_space<vmem>>) dst(%dma_wait3A_753 : memref<256x32xf32, #tpu.memory_space<hbm>>)
      %mul3A_758 = arith.constant 2 : i32
      %mul3A_759 = arith.muli %add3A_742, %mul3A_758 : i32
      %add3A_760 = arith.constant 0 : i32
      %add3A_761 = arith.addi %mul3A_759, %add3A_760 : i32
      %dma_start3A_762 = arith.constant 2 : i32
      %dma_start3A_763 = arith.constant 0 : i32
      %dma_start3A_764 = arith.constant 0 : i32
      %dma_start3A_765 = tpu.memref_slice %arg6[%dma_start3A_762, %dma_start3A_763, %dma_start3A_764] : memref<4x256x32xf32, #tpu.memory_space<vmem>> -> memref<1x256x32xf32, #tpu.memory_space<vmem>>
      %dma_start3A_766 = tpu.memref_squeeze %dma_start3A_765 : memref<1x256x32xf32, #tpu.memory_space<vmem>> -> memref<256x32xf32, #tpu.memory_space<vmem>>
      %dma_start3A_767 = arith.constant 0 : i32
      %dma_start3A_768 = arith.constant 0 : i32
      %dma_start3A_769 = tpu.memref_slice %dma_start3A_766[%dma_start3A_767, %dma_start3A_768] : memref<256x32xf32, #tpu.memory_space<vmem>> -> memref<128x32xf32, #tpu.memory_space<vmem>>
      %dma_start3A_770 = arith.constant 0 : i32
      %dma_start3A_771 = tpu.memref_slice %arg5[%add3A_761, %dma_start3A_770] : memref<104x128xi32, #tpu.memory_space<vmem>> -> memref<1x128xi32, #tpu.memory_space<vmem>>
      %dma_start3A_772 = tpu.memref_squeeze %dma_start3A_771 : memref<1x128xi32, #tpu.memory_space<vmem>> -> memref<128xi32, #tpu.memory_space<vmem>>
      %dma_start3A_773 = arith.constant 0 : i32
      %dma_start3A_774 = arith.constant 0 : i32
      %dma_start3A_775 = tpu.memref_slice %arg2[%dma_start3A_773, %dma_start3A_774] : memref<1000000x32xf32, #tpu.memory_space<hbm>> -> memref<1000000x32xf32, #tpu.memory_space<hbm>>
      tpu.enqueue_indirect_dma source(%dma_start3A_775 : memref<1000000x32xf32, #tpu.memory_space<hbm>>) target(%dma_start3A_769 : memref<128x32xf32, #tpu.memory_space<vmem>>) offsets(%dma_start3A_772 : memref<128xi32, #tpu.memory_space<vmem>>) semaphore(%arg9 : memref<!tpu.dma_semaphore, #tpu.memory_space<semaphore_mem>>)
      %mul3A_776 = arith.constant 2 : i32
      %mul3A_777 = arith.muli %add3A_742, %mul3A_776 : i32
      %add3A_778 = arith.constant 1 : i32
      %add3A_779 = arith.addi %mul3A_777, %add3A_778 : i32
      %dma_start3A_780 = arith.constant 2 : i32
      %dma_start3A_781 = arith.constant 0 : i32
      %dma_start3A_782 = arith.constant 0 : i32
      %dma_start3A_783 = tpu.memref_slice %arg6[%dma_start3A_780, %dma_start3A_781, %dma_start3A_782] : memref<4x256x32xf32, #tpu.memory_space<vmem>> -> memref<1x256x32xf32, #tpu.memory_space<vmem>>
      %dma_start3A_784 = tpu.memref_squeeze %dma_start3A_783 : memref<1x256x32xf32, #tpu.memory_space<vmem>> -> memref<256x32xf32, #tpu.memory_space<vmem>>
      %dma_start3A_785 = arith.constant 128 : i32
      %dma_start3A_786 = arith.constant 0 : i32
      %dma_start3A_787 = tpu.memref_slice %dma_start3A_784[%dma_start3A_785, %dma_start3A_786] : memref<256x32xf32, #tpu.memory_space<vmem>> -> memref<128x32xf32, #tpu.memory_space<vmem>>
      %dma_start3A_788 = arith.constant 0 : i32
      %dma_start3A_789 = tpu.memref_slice %arg5[%add3A_779, %dma_start3A_788] : memref<104x128xi32, #tpu.memory_space<vmem>> -> memref<1x128xi32, #tpu.memory_space<vmem>>
      %dma_start3A_790 = tpu.memref_squeeze %dma_start3A_789 : memref<1x128xi32, #tpu.memory_space<vmem>> -> memref<128xi32, #tpu.memory_space<vmem>>
      %dma_start3A_791 = arith.constant 0 : i32
      %dma_start3A_792 = arith.constant 0 : i32
      %dma_start3A_793 = tpu.memref_slice %arg2[%dma_start3A_791, %dma_start3A_792] : memref<1000000x32xf32, #tpu.memory_space<hbm>> -> memref<1000000x32xf32, #tpu.memory_space<hbm>>
      tpu.enqueue_indirect_dma source(%dma_start3A_793 : memref<1000000x32xf32, #tpu.memory_space<hbm>>) target(%dma_start3A_787 : memref<128x32xf32, #tpu.memory_space<vmem>>) offsets(%dma_start3A_790 : memref<128xi32, #tpu.memory_space<vmem>>) semaphore(%arg9 : memref<!tpu.dma_semaphore, #tpu.memory_space<semaphore_mem>>)
      %add3A_794 = arith.constant 1 : i32
      %add3A_795 = arith.addi %scan3A_413, %add3A_794 : i32
      %mul3A_796 = arith.constant 4 : i32
      %mul3A_797 = arith.muli %add3A_795, %mul3A_796 : i32
      %add3A_798 = arith.constant 3 : i32
      %add3A_799 = arith.addi %mul3A_797, %add3A_798 : i32
      %mul3A_800 = arith.constant 13312 : i32
      %mul3A_801 = arith.muli %add3A, %mul3A_800 : i32
      %dma_wait3A_802 = arith.constant 3 : i32
      %dma_wait3A_803 = arith.constant 0 : i32
      %dma_wait3A_804 = arith.constant 0 : i32
      %dma_wait3A_805 = tpu.memref_slice %arg6[%dma_wait3A_802, %dma_wait3A_803, %dma_wait3A_804] : memref<4x256x32xf32, #tpu.memory_space<vmem>> -> memref<1x256x32xf32, #tpu.memory_space<vmem>>
      %dma_wait3A_806 = tpu.memref_squeeze %dma_wait3A_805 : memref<1x256x32xf32, #tpu.memory_space<vmem>> -> memref<256x32xf32, #tpu.memory_space<vmem>>
      %dma_wait3A_807 = arith.constant 0 : i32
      %dma_wait3A_808 = tpu.memref_slice %arg4[%mul3A_801, %dma_wait3A_807] : memref<425984x32xf32, #tpu.memory_space<hbm>> -> memref<256x32xf32, #tpu.memory_space<hbm>>
      %dma_wait3A_809 = arith.constant 0 : i32
      %dma_wait3A_810 = tpu.memref_slice %arg4[%mul3A_801, %dma_wait3A_809] : memref<425984x32xf32, #tpu.memory_space<hbm>> -> memref<256x32xf32, #tpu.memory_space<hbm>>
      %dma_wait3A_811 = arith.constant 0 : i32
      %dma_wait3A_812 = arith.constant 0 : i32
      %dma_wait3A_813 = tpu.memref_slice %arg6[%dma_wait3A_802, %dma_wait3A_811, %dma_wait3A_812] : memref<4x256x32xf32, #tpu.memory_space<vmem>> -> memref<1x256x32xf32, #tpu.memory_space<vmem>>
      %dma_wait3A_814 = tpu.memref_squeeze %dma_wait3A_813 : memref<1x256x32xf32, #tpu.memory_space<vmem>> -> memref<256x32xf32, #tpu.memory_space<vmem>>
      tpu.wait_dma2 semaphore(%arg14 : memref<!tpu.dma_semaphore, #tpu.memory_space<semaphore_mem>>) src(%dma_wait3A_814 : memref<256x32xf32, #tpu.memory_space<vmem>>) dst(%dma_wait3A_810 : memref<256x32xf32, #tpu.memory_space<hbm>>)
      %mul3A_815 = arith.constant 2 : i32
      %mul3A_816 = arith.muli %add3A_799, %mul3A_815 : i32
      %add3A_817 = arith.constant 0 : i32
      %add3A_818 = arith.addi %mul3A_816, %add3A_817 : i32
      %dma_start3A_819 = arith.constant 3 : i32
      %dma_start3A_820 = arith.constant 0 : i32
      %dma_start3A_821 = arith.constant 0 : i32
      %dma_start3A_822 = tpu.memref_slice %arg6[%dma_start3A_819, %dma_start3A_820, %dma_start3A_821] : memref<4x256x32xf32, #tpu.memory_space<vmem>> -> memref<1x256x32xf32, #tpu.memory_space<vmem>>
      %dma_start3A_823 = tpu.memref_squeeze %dma_start3A_822 : memref<1x256x32xf32, #tpu.memory_space<vmem>> -> memref<256x32xf32, #tpu.memory_space<vmem>>
      %dma_start3A_824 = arith.constant 0 : i32
      %dma_start3A_825 = arith.constant 0 : i32
      %dma_start3A_826 = tpu.memref_slice %dma_start3A_823[%dma_start3A_824, %dma_start3A_825] : memref<256x32xf32, #tpu.memory_space<vmem>> -> memref<128x32xf32, #tpu.memory_space<vmem>>
      %dma_start3A_827 = arith.constant 0 : i32
      %dma_start3A_828 = tpu.memref_slice %arg5[%add3A_818, %dma_start3A_827] : memref<104x128xi32, #tpu.memory_space<vmem>> -> memref<1x128xi32, #tpu.memory_space<vmem>>
      %dma_start3A_829 = tpu.memref_squeeze %dma_start3A_828 : memref<1x128xi32, #tpu.memory_space<vmem>> -> memref<128xi32, #tpu.memory_space<vmem>>
      %dma_start3A_830 = arith.constant 0 : i32
      %dma_start3A_831 = arith.constant 0 : i32
      %dma_start3A_832 = tpu.memref_slice %arg2[%dma_start3A_830, %dma_start3A_831] : memref<1000000x32xf32, #tpu.memory_space<hbm>> -> memref<1000000x32xf32, #tpu.memory_space<hbm>>
      tpu.enqueue_indirect_dma source(%dma_start3A_832 : memref<1000000x32xf32, #tpu.memory_space<hbm>>) target(%dma_start3A_826 : memref<128x32xf32, #tpu.memory_space<vmem>>) offsets(%dma_start3A_829 : memref<128xi32, #tpu.memory_space<vmem>>) semaphore(%arg10 : memref<!tpu.dma_semaphore, #tpu.memory_space<semaphore_mem>>)
      %mul3A_833 = arith.constant 2 : i32
      %mul3A_834 = arith.muli %add3A_799, %mul3A_833 : i32
      %add3A_835 = arith.constant 1 : i32
      %add3A_836 = arith.addi %mul3A_834, %add3A_835 : i32
      %dma_start3A_837 = arith.constant 3 : i32
      %dma_start3A_838 = arith.constant 0 : i32
      %dma_start3A_839 = arith.constant 0 : i32
      %dma_start3A_840 = tpu.memref_slice %arg6[%dma_start3A_837, %dma_start3A_838, %dma_start3A_839] : memref<4x256x32xf32, #tpu.memory_space<vmem>> -> memref<1x256x32xf32, #tpu.memory_space<vmem>>
      %dma_start3A_841 = tpu.memref_squeeze %dma_start3A_840 : memref<1x256x32xf32, #tpu.memory_space<vmem>> -> memref<256x32xf32, #tpu.memory_space<vmem>>
      %dma_start3A_842 = arith.constant 128 : i32
      %dma_start3A_843 = arith.constant 0 : i32
      %dma_start3A_844 = tpu.memref_slice %dma_start3A_841[%dma_start3A_842, %dma_start3A_843] : memref<256x32xf32, #tpu.memory_space<vmem>> -> memref<128x32xf32, #tpu.memory_space<vmem>>
      %dma_start3A_845 = arith.constant 0 : i32
      %dma_start3A_846 = tpu.memref_slice %arg5[%add3A_836, %dma_start3A_845] : memref<104x128xi32, #tpu.memory_space<vmem>> -> memref<1x128xi32, #tpu.memory_space<vmem>>
      %dma_start3A_847 = tpu.memref_squeeze %dma_start3A_846 : memref<1x128xi32, #tpu.memory_space<vmem>> -> memref<128xi32, #tpu.memory_space<vmem>>
      %dma_start3A_848 = arith.constant 0 : i32
      %dma_start3A_849 = arith.constant 0 : i32
      %dma_start3A_850 = tpu.memref_slice %arg2[%dma_start3A_848, %dma_start3A_849] : memref<1000000x32xf32, #tpu.memory_space<hbm>> -> memref<1000000x32xf32, #tpu.memory_space<hbm>>
      tpu.enqueue_indirect_dma source(%dma_start3A_850 : memref<1000000x32xf32, #tpu.memory_space<hbm>>) target(%dma_start3A_844 : memref<128x32xf32, #tpu.memory_space<vmem>>) offsets(%dma_start3A_847 : memref<128xi32, #tpu.memory_space<vmem>>) semaphore(%arg10 : memref<!tpu.dma_semaphore, #tpu.memory_space<semaphore_mem>>)
      %scan3A_851 = arith.constant 0 : i32
      scf.yield %scan3A_851 : i32
    }
    %scan3A_157 = arith.constant 12 : i32
    %dma_wait3A = arith.constant 0 : i32
    %dma_wait3A_158 = arith.constant 0 : i32
    %dma_wait3A_159 = arith.constant 0 : i32
    %dma_wait3A_160 = arith.constant 0 : i32
    %dma_wait3A_161 = tpu.memref_slice %arg6[%dma_wait3A_158, %dma_wait3A_159, %dma_wait3A_160] : memref<4x256x32xf32, #tpu.memory_space<vmem>> -> memref<1x256x32xf32, #tpu.memory_space<vmem>>
    %dma_wait3A_162 = tpu.memref_squeeze %dma_wait3A_161 : memref<1x256x32xf32, #tpu.memory_space<vmem>> -> memref<256x32xf32, #tpu.memory_space<vmem>>
    %dma_wait3A_163 = arith.constant 0 : i32
    %dma_wait3A_164 = arith.constant 0 : i32
    %dma_wait3A_165 = tpu.memref_slice %dma_wait3A_162[%dma_wait3A_163, %dma_wait3A_164] : memref<256x32xf32, #tpu.memory_space<vmem>> -> memref<128x32xf32, #tpu.memory_space<vmem>>
    %dma_wait3A_166 = arith.constant 0 : i32
    %dma_wait3A_167 = tpu.memref_slice %arg5[%dma_wait3A, %dma_wait3A_166] : memref<104x128xi32, #tpu.memory_space<vmem>> -> memref<1x128xi32, #tpu.memory_space<vmem>>
    %dma_wait3A_168 = tpu.memref_squeeze %dma_wait3A_167 : memref<1x128xi32, #tpu.memory_space<vmem>> -> memref<128xi32, #tpu.memory_space<vmem>>
    %dma_wait3A_169 = arith.constant 0 : i32
    %dma_wait3A_170 = arith.constant 0 : i32
    %dma_wait3A_171 = tpu.memref_slice %arg2[%dma_wait3A_169, %dma_wait3A_170] : memref<1000000x32xf32, #tpu.memory_space<hbm>> -> memref<1000000x32xf32, #tpu.memory_space<hbm>>
    tpu.wait_indirect_dma semaphore(%arg7 : memref<!tpu.dma_semaphore, #tpu.memory_space<semaphore_mem>>) src(%dma_wait3A_171 : memref<1000000x32xf32, #tpu.memory_space<hbm>>) dst(%dma_wait3A_165 : memref<128x32xf32, #tpu.memory_space<vmem>>)
    %dma_wait3A_172 = arith.constant 1 : i32
    %dma_wait3A_173 = arith.constant 0 : i32
    %dma_wait3A_174 = arith.constant 0 : i32
    %dma_wait3A_175 = arith.constant 0 : i32
    %dma_wait3A_176 = tpu.memref_slice %arg6[%dma_wait3A_173, %dma_wait3A_174, %dma_wait3A_175] : memref<4x256x32xf32, #tpu.memory_space<vmem>> -> memref<1x256x32xf32, #tpu.memory_space<vmem>>
    %dma_wait3A_177 = tpu.memref_squeeze %dma_wait3A_176 : memref<1x256x32xf32, #tpu.memory_space<vmem>> -> memref<256x32xf32, #tpu.memory_space<vmem>>
    %dma_wait3A_178 = arith.constant 128 : i32
    %dma_wait3A_179 = arith.constant 0 : i32
    %dma_wait3A_180 = tpu.memref_slice %dma_wait3A_177[%dma_wait3A_178, %dma_wait3A_179] : memref<256x32xf32, #tpu.memory_space<vmem>> -> memref<128x32xf32, #tpu.memory_space<vmem>>
    %dma_wait3A_181 = arith.constant 0 : i32
    %dma_wait3A_182 = tpu.memref_slice %arg5[%dma_wait3A_172, %dma_wait3A_181] : memref<104x128xi32, #tpu.memory_space<vmem>> -> memref<1x128xi32, #tpu.memory_space<vmem>>
    %dma_wait3A_183 = tpu.memref_squeeze %dma_wait3A_182 : memref<1x128xi32, #tpu.memory_space<vmem>> -> memref<128xi32, #tpu.memory_space<vmem>>
    %dma_wait3A_184 = arith.constant 0 : i32
    %dma_wait3A_185 = arith.constant 0 : i32
    %dma_wait3A_186 = tpu.memref_slice %arg2[%dma_wait3A_184, %dma_wait3A_185] : memref<1000000x32xf32, #tpu.memory_space<hbm>> -> memref<1000000x32xf32, #tpu.memory_space<hbm>>
    tpu.wait_indirect_dma semaphore(%arg7 : memref<!tpu.dma_semaphore, #tpu.memory_space<semaphore_mem>>) src(%dma_wait3A_186 : memref<1000000x32xf32, #tpu.memory_space<hbm>>) dst(%dma_wait3A_180 : memref<128x32xf32, #tpu.memory_space<vmem>>)
    %mul3A_187 = arith.constant 13312 : i32
    %mul3A_188 = arith.muli %add3A, %mul3A_187 : i32
    %mul3A_189 = arith.constant 48 : i32
    %mul3A_190 = arith.constant 256 : i32
    %mul3A_191 = arith.muli %mul3A_189, %mul3A_190 : i32
    %add3A_192 = arith.addi %mul3A_188, %mul3A_191 : i32
    %dma_start3A_193 = arith.constant 0 : i32
    %dma_start3A_194 = arith.constant 0 : i32
    %dma_start3A_195 = arith.constant 0 : i32
    %dma_start3A_196 = tpu.memref_slice %arg6[%dma_start3A_193, %dma_start3A_194, %dma_start3A_195] : memref<4x256x32xf32, #tpu.memory_space<vmem>> -> memref<1x256x32xf32, #tpu.memory_space<vmem>>
    %dma_start3A_197 = tpu.memref_squeeze %dma_start3A_196 : memref<1x256x32xf32, #tpu.memory_space<vmem>> -> memref<256x32xf32, #tpu.memory_space<vmem>>
    %dma_start3A_198 = arith.constant 0 : i32
    %dma_start3A_199 = tpu.memref_slice %arg4[%add3A_192, %dma_start3A_198] : memref<425984x32xf32, #tpu.memory_space<hbm>> -> memref<256x32xf32, #tpu.memory_space<hbm>>
    %dma_start3A_200 = arith.constant 0 : i32
    %dma_start3A_201 = tpu.memref_slice %arg4[%add3A_192, %dma_start3A_200] : memref<425984x32xf32, #tpu.memory_space<hbm>> -> memref<256x32xf32, #tpu.memory_space<hbm>>
    %dma_start3A_202 = arith.constant 0 : i32
    %dma_start3A_203 = arith.constant 0 : i32
    %dma_start3A_204 = tpu.memref_slice %arg6[%dma_start3A_193, %dma_start3A_202, %dma_start3A_203] : memref<4x256x32xf32, #tpu.memory_space<vmem>> -> memref<1x256x32xf32, #tpu.memory_space<vmem>>
    %dma_start3A_205 = tpu.memref_squeeze %dma_start3A_204 : memref<1x256x32xf32, #tpu.memory_space<vmem>> -> memref<256x32xf32, #tpu.memory_space<vmem>>
    tpu.enqueue_dma source(%dma_start3A_205 : memref<256x32xf32, #tpu.memory_space<vmem>>) target(%dma_start3A_201 : memref<256x32xf32, #tpu.memory_space<hbm>>) target_semaphore(%arg11 : memref<!tpu.dma_semaphore, #tpu.memory_space<semaphore_mem>>)
    %dma_wait3A_206 = arith.constant 0 : i32
    %dma_wait3A_207 = arith.constant 1 : i32
    %dma_wait3A_208 = arith.constant 0 : i32
    %dma_wait3A_209 = arith.constant 0 : i32
    %dma_wait3A_210 = tpu.memref_slice %arg6[%dma_wait3A_207, %dma_wait3A_208, %dma_wait3A_209] : memref<4x256x32xf32, #tpu.memory_space<vmem>> -> memref<1x256x32xf32, #tpu.memory_space<vmem>>
    %dma_wait3A_211 = tpu.memref_squeeze %dma_wait3A_210 : memref<1x256x32xf32, #tpu.memory_space<vmem>> -> memref<256x32xf32, #tpu.memory_space<vmem>>
    %dma_wait3A_212 = arith.constant 0 : i32
    %dma_wait3A_213 = arith.constant 0 : i32
    %dma_wait3A_214 = tpu.memref_slice %dma_wait3A_211[%dma_wait3A_212, %dma_wait3A_213] : memref<256x32xf32, #tpu.memory_space<vmem>> -> memref<128x32xf32, #tpu.memory_space<vmem>>
    %dma_wait3A_215 = arith.constant 0 : i32
    %dma_wait3A_216 = tpu.memref_slice %arg5[%dma_wait3A_206, %dma_wait3A_215] : memref<104x128xi32, #tpu.memory_space<vmem>> -> memref<1x128xi32, #tpu.memory_space<vmem>>
    %dma_wait3A_217 = tpu.memref_squeeze %dma_wait3A_216 : memref<1x128xi32, #tpu.memory_space<vmem>> -> memref<128xi32, #tpu.memory_space<vmem>>
    %dma_wait3A_218 = arith.constant 0 : i32
    %dma_wait3A_219 = arith.constant 0 : i32
    %dma_wait3A_220 = tpu.memref_slice %arg2[%dma_wait3A_218, %dma_wait3A_219] : memref<1000000x32xf32, #tpu.memory_space<hbm>> -> memref<1000000x32xf32, #tpu.memory_space<hbm>>
    tpu.wait_indirect_dma semaphore(%arg8 : memref<!tpu.dma_semaphore, #tpu.memory_space<semaphore_mem>>) src(%dma_wait3A_220 : memref<1000000x32xf32, #tpu.memory_space<hbm>>) dst(%dma_wait3A_214 : memref<128x32xf32, #tpu.memory_space<vmem>>)
    %dma_wait3A_221 = arith.constant 1 : i32
    %dma_wait3A_222 = arith.constant 1 : i32
    %dma_wait3A_223 = arith.constant 0 : i32
    %dma_wait3A_224 = arith.constant 0 : i32
    %dma_wait3A_225 = tpu.memref_slice %arg6[%dma_wait3A_222, %dma_wait3A_223, %dma_wait3A_224] : memref<4x256x32xf32, #tpu.memory_space<vmem>> -> memref<1x256x32xf32, #tpu.memory_space<vmem>>
    %dma_wait3A_226 = tpu.memref_squeeze %dma_wait3A_225 : memref<1x256x32xf32, #tpu.memory_space<vmem>> -> memref<256x32xf32, #tpu.memory_space<vmem>>
    %dma_wait3A_227 = arith.constant 128 : i32
    %dma_wait3A_228 = arith.constant 0 : i32
    %dma_wait3A_229 = tpu.memref_slice %dma_wait3A_226[%dma_wait3A_227, %dma_wait3A_228] : memref<256x32xf32, #tpu.memory_space<vmem>> -> memref<128x32xf32, #tpu.memory_space<vmem>>
    %dma_wait3A_230 = arith.constant 0 : i32
    %dma_wait3A_231 = tpu.memref_slice %arg5[%dma_wait3A_221, %dma_wait3A_230] : memref<104x128xi32, #tpu.memory_space<vmem>> -> memref<1x128xi32, #tpu.memory_space<vmem>>
    %dma_wait3A_232 = tpu.memref_squeeze %dma_wait3A_231 : memref<1x128xi32, #tpu.memory_space<vmem>> -> memref<128xi32, #tpu.memory_space<vmem>>
    %dma_wait3A_233 = arith.constant 0 : i32
    %dma_wait3A_234 = arith.constant 0 : i32
    %dma_wait3A_235 = tpu.memref_slice %arg2[%dma_wait3A_233, %dma_wait3A_234] : memref<1000000x32xf32, #tpu.memory_space<hbm>> -> memref<1000000x32xf32, #tpu.memory_space<hbm>>
    tpu.wait_indirect_dma semaphore(%arg8 : memref<!tpu.dma_semaphore, #tpu.memory_space<semaphore_mem>>) src(%dma_wait3A_235 : memref<1000000x32xf32, #tpu.memory_space<hbm>>) dst(%dma_wait3A_229 : memref<128x32xf32, #tpu.memory_space<vmem>>)
    %mul3A_236 = arith.constant 13312 : i32
    %mul3A_237 = arith.muli %add3A, %mul3A_236 : i32
    %mul3A_238 = arith.constant 49 : i32
    %mul3A_239 = arith.constant 256 : i32
    %mul3A_240 = arith.muli %mul3A_238, %mul3A_239 : i32
    %add3A_241 = arith.addi %mul3A_237, %mul3A_240 : i32
    %dma_start3A_242 = arith.constant 1 : i32
    %dma_start3A_243 = arith.constant 0 : i32
    %dma_start3A_244 = arith.constant 0 : i32
    %dma_start3A_245 = tpu.memref_slice %arg6[%dma_start3A_242, %dma_start3A_243, %dma_start3A_244] : memref<4x256x32xf32, #tpu.memory_space<vmem>> -> memref<1x256x32xf32, #tpu.memory_space<vmem>>
    %dma_start3A_246 = tpu.memref_squeeze %dma_start3A_245 : memref<1x256x32xf32, #tpu.memory_space<vmem>> -> memref<256x32xf32, #tpu.memory_space<vmem>>
    %dma_start3A_247 = arith.constant 0 : i32
    %dma_start3A_248 = tpu.memref_slice %arg4[%add3A_241, %dma_start3A_247] : memref<425984x32xf32, #tpu.memory_space<hbm>> -> memref<256x32xf32, #tpu.memory_space<hbm>>
    %dma_start3A_249 = arith.constant 0 : i32
    %dma_start3A_250 = tpu.memref_slice %arg4[%add3A_241, %dma_start3A_249] : memref<425984x32xf32, #tpu.memory_space<hbm>> -> memref<256x32xf32, #tpu.memory_space<hbm>>
    %dma_start3A_251 = arith.constant 0 : i32
    %dma_start3A_252 = arith.constant 0 : i32
    %dma_start3A_253 = tpu.memref_slice %arg6[%dma_start3A_242, %dma_start3A_251, %dma_start3A_252] : memref<4x256x32xf32, #tpu.memory_space<vmem>> -> memref<1x256x32xf32, #tpu.memory_space<vmem>>
    %dma_start3A_254 = tpu.memref_squeeze %dma_start3A_253 : memref<1x256x32xf32, #tpu.memory_space<vmem>> -> memref<256x32xf32, #tpu.memory_space<vmem>>
    tpu.enqueue_dma source(%dma_start3A_254 : memref<256x32xf32, #tpu.memory_space<vmem>>) target(%dma_start3A_250 : memref<256x32xf32, #tpu.memory_space<hbm>>) target_semaphore(%arg12 : memref<!tpu.dma_semaphore, #tpu.memory_space<semaphore_mem>>)
    %dma_wait3A_255 = arith.constant 0 : i32
    %dma_wait3A_256 = arith.constant 2 : i32
    %dma_wait3A_257 = arith.constant 0 : i32
    %dma_wait3A_258 = arith.constant 0 : i32
    %dma_wait3A_259 = tpu.memref_slice %arg6[%dma_wait3A_256, %dma_wait3A_257, %dma_wait3A_258] : memref<4x256x32xf32, #tpu.memory_space<vmem>> -> memref<1x256x32xf32, #tpu.memory_space<vmem>>
    %dma_wait3A_260 = tpu.memref_squeeze %dma_wait3A_259 : memref<1x256x32xf32, #tpu.memory_space<vmem>> -> memref<256x32xf32, #tpu.memory_space<vmem>>
    %dma_wait3A_261 = arith.constant 0 : i32
    %dma_wait3A_262 = arith.constant 0 : i32
    %dma_wait3A_263 = tpu.memref_slice %dma_wait3A_260[%dma_wait3A_261, %dma_wait3A_262] : memref<256x32xf32, #tpu.memory_space<vmem>> -> memref<128x32xf32, #tpu.memory_space<vmem>>
    %dma_wait3A_264 = arith.constant 0 : i32
    %dma_wait3A_265 = tpu.memref_slice %arg5[%dma_wait3A_255, %dma_wait3A_264] : memref<104x128xi32, #tpu.memory_space<vmem>> -> memref<1x128xi32, #tpu.memory_space<vmem>>
    %dma_wait3A_266 = tpu.memref_squeeze %dma_wait3A_265 : memref<1x128xi32, #tpu.memory_space<vmem>> -> memref<128xi32, #tpu.memory_space<vmem>>
    %dma_wait3A_267 = arith.constant 0 : i32
    %dma_wait3A_268 = arith.constant 0 : i32
    %dma_wait3A_269 = tpu.memref_slice %arg2[%dma_wait3A_267, %dma_wait3A_268] : memref<1000000x32xf32, #tpu.memory_space<hbm>> -> memref<1000000x32xf32, #tpu.memory_space<hbm>>
    tpu.wait_indirect_dma semaphore(%arg9 : memref<!tpu.dma_semaphore, #tpu.memory_space<semaphore_mem>>) src(%dma_wait3A_269 : memref<1000000x32xf32, #tpu.memory_space<hbm>>) dst(%dma_wait3A_263 : memref<128x32xf32, #tpu.memory_space<vmem>>)
    %dma_wait3A_270 = arith.constant 1 : i32
    %dma_wait3A_271 = arith.constant 2 : i32
    %dma_wait3A_272 = arith.constant 0 : i32
    %dma_wait3A_273 = arith.constant 0 : i32
    %dma_wait3A_274 = tpu.memref_slice %arg6[%dma_wait3A_271, %dma_wait3A_272, %dma_wait3A_273] : memref<4x256x32xf32, #tpu.memory_space<vmem>> -> memref<1x256x32xf32, #tpu.memory_space<vmem>>
    %dma_wait3A_275 = tpu.memref_squeeze %dma_wait3A_274 : memref<1x256x32xf32, #tpu.memory_space<vmem>> -> memref<256x32xf32, #tpu.memory_space<vmem>>
    %dma_wait3A_276 = arith.constant 128 : i32
    %dma_wait3A_277 = arith.constant 0 : i32
    %dma_wait3A_278 = tpu.memref_slice %dma_wait3A_275[%dma_wait3A_276, %dma_wait3A_277] : memref<256x32xf32, #tpu.memory_space<vmem>> -> memref<128x32xf32, #tpu.memory_space<vmem>>
    %dma_wait3A_279 = arith.constant 0 : i32
    %dma_wait3A_280 = tpu.memref_slice %arg5[%dma_wait3A_270, %dma_wait3A_279] : memref<104x128xi32, #tpu.memory_space<vmem>> -> memref<1x128xi32, #tpu.memory_space<vmem>>
    %dma_wait3A_281 = tpu.memref_squeeze %dma_wait3A_280 : memref<1x128xi32, #tpu.memory_space<vmem>> -> memref<128xi32, #tpu.memory_space<vmem>>
    %dma_wait3A_282 = arith.constant 0 : i32
    %dma_wait3A_283 = arith.constant 0 : i32
    %dma_wait3A_284 = tpu.memref_slice %arg2[%dma_wait3A_282, %dma_wait3A_283] : memref<1000000x32xf32, #tpu.memory_space<hbm>> -> memref<1000000x32xf32, #tpu.memory_space<hbm>>
    tpu.wait_indirect_dma semaphore(%arg9 : memref<!tpu.dma_semaphore, #tpu.memory_space<semaphore_mem>>) src(%dma_wait3A_284 : memref<1000000x32xf32, #tpu.memory_space<hbm>>) dst(%dma_wait3A_278 : memref<128x32xf32, #tpu.memory_space<vmem>>)
    %mul3A_285 = arith.constant 13312 : i32
    %mul3A_286 = arith.muli %add3A, %mul3A_285 : i32
    %mul3A_287 = arith.constant 50 : i32
    %mul3A_288 = arith.constant 256 : i32
    %mul3A_289 = arith.muli %mul3A_287, %mul3A_288 : i32
    %add3A_290 = arith.addi %mul3A_286, %mul3A_289 : i32
    %dma_start3A_291 = arith.constant 2 : i32
    %dma_start3A_292 = arith.constant 0 : i32
    %dma_start3A_293 = arith.constant 0 : i32
    %dma_start3A_294 = tpu.memref_slice %arg6[%dma_start3A_291, %dma_start3A_292, %dma_start3A_293] : memref<4x256x32xf32, #tpu.memory_space<vmem>> -> memref<1x256x32xf32, #tpu.memory_space<vmem>>
    %dma_start3A_295 = tpu.memref_squeeze %dma_start3A_294 : memref<1x256x32xf32, #tpu.memory_space<vmem>> -> memref<256x32xf32, #tpu.memory_space<vmem>>
    %dma_start3A_296 = arith.constant 0 : i32
    %dma_start3A_297 = tpu.memref_slice %arg4[%add3A_290, %dma_start3A_296] : memref<425984x32xf32, #tpu.memory_space<hbm>> -> memref<256x32xf32, #tpu.memory_space<hbm>>
    %dma_start3A_298 = arith.constant 0 : i32
    %dma_start3A_299 = tpu.memref_slice %arg4[%add3A_290, %dma_start3A_298] : memref<425984x32xf32, #tpu.memory_space<hbm>> -> memref<256x32xf32, #tpu.memory_space<hbm>>
    %dma_start3A_300 = arith.constant 0 : i32
    %dma_start3A_301 = arith.constant 0 : i32
    %dma_start3A_302 = tpu.memref_slice %arg6[%dma_start3A_291, %dma_start3A_300, %dma_start3A_301] : memref<4x256x32xf32, #tpu.memory_space<vmem>> -> memref<1x256x32xf32, #tpu.memory_space<vmem>>
    %dma_start3A_303 = tpu.memref_squeeze %dma_start3A_302 : memref<1x256x32xf32, #tpu.memory_space<vmem>> -> memref<256x32xf32, #tpu.memory_space<vmem>>
    tpu.enqueue_dma source(%dma_start3A_303 : memref<256x32xf32, #tpu.memory_space<vmem>>) target(%dma_start3A_299 : memref<256x32xf32, #tpu.memory_space<hbm>>) target_semaphore(%arg13 : memref<!tpu.dma_semaphore, #tpu.memory_space<semaphore_mem>>)
    %dma_wait3A_304 = arith.constant 0 : i32
    %dma_wait3A_305 = arith.constant 3 : i32
    %dma_wait3A_306 = arith.constant 0 : i32
    %dma_wait3A_307 = arith.constant 0 : i32
    %dma_wait3A_308 = tpu.memref_slice %arg6[%dma_wait3A_305, %dma_wait3A_306, %dma_wait3A_307] : memref<4x256x32xf32, #tpu.memory_space<vmem>> -> memref<1x256x32xf32, #tpu.memory_space<vmem>>
    %dma_wait3A_309 = tpu.memref_squeeze %dma_wait3A_308 : memref<1x256x32xf32, #tpu.memory_space<vmem>> -> memref<256x32xf32, #tpu.memory_space<vmem>>
    %dma_wait3A_310 = arith.constant 0 : i32
    %dma_wait3A_311 = arith.constant 0 : i32
    %dma_wait3A_312 = tpu.memref_slice %dma_wait3A_309[%dma_wait3A_310, %dma_wait3A_311] : memref<256x32xf32, #tpu.memory_space<vmem>> -> memref<128x32xf32, #tpu.memory_space<vmem>>
    %dma_wait3A_313 = arith.constant 0 : i32
    %dma_wait3A_314 = tpu.memref_slice %arg5[%dma_wait3A_304, %dma_wait3A_313] : memref<104x128xi32, #tpu.memory_space<vmem>> -> memref<1x128xi32, #tpu.memory_space<vmem>>
    %dma_wait3A_315 = tpu.memref_squeeze %dma_wait3A_314 : memref<1x128xi32, #tpu.memory_space<vmem>> -> memref<128xi32, #tpu.memory_space<vmem>>
    %dma_wait3A_316 = arith.constant 0 : i32
    %dma_wait3A_317 = arith.constant 0 : i32
    %dma_wait3A_318 = tpu.memref_slice %arg2[%dma_wait3A_316, %dma_wait3A_317] : memref<1000000x32xf32, #tpu.memory_space<hbm>> -> memref<1000000x32xf32, #tpu.memory_space<hbm>>
    tpu.wait_indirect_dma semaphore(%arg10 : memref<!tpu.dma_semaphore, #tpu.memory_space<semaphore_mem>>) src(%dma_wait3A_318 : memref<1000000x32xf32, #tpu.memory_space<hbm>>) dst(%dma_wait3A_312 : memref<128x32xf32, #tpu.memory_space<vmem>>)
    %dma_wait3A_319 = arith.constant 1 : i32
    %dma_wait3A_320 = arith.constant 3 : i32
    %dma_wait3A_321 = arith.constant 0 : i32
    %dma_wait3A_322 = arith.constant 0 : i32
    %dma_wait3A_323 = tpu.memref_slice %arg6[%dma_wait3A_320, %dma_wait3A_321, %dma_wait3A_322] : memref<4x256x32xf32, #tpu.memory_space<vmem>> -> memref<1x256x32xf32, #tpu.memory_space<vmem>>
    %dma_wait3A_324 = tpu.memref_squeeze %dma_wait3A_323 : memref<1x256x32xf32, #tpu.memory_space<vmem>> -> memref<256x32xf32, #tpu.memory_space<vmem>>
    %dma_wait3A_325 = arith.constant 128 : i32
    %dma_wait3A_326 = arith.constant 0 : i32
    %dma_wait3A_327 = tpu.memref_slice %dma_wait3A_324[%dma_wait3A_325, %dma_wait3A_326] : memref<256x32xf32, #tpu.memory_space<vmem>> -> memref<128x32xf32, #tpu.memory_space<vmem>>
    %dma_wait3A_328 = arith.constant 0 : i32
    %dma_wait3A_329 = tpu.memref_slice %arg5[%dma_wait3A_319, %dma_wait3A_328] : memref<104x128xi32, #tpu.memory_space<vmem>> -> memref<1x128xi32, #tpu.memory_space<vmem>>
    %dma_wait3A_330 = tpu.memref_squeeze %dma_wait3A_329 : memref<1x128xi32, #tpu.memory_space<vmem>> -> memref<128xi32, #tpu.memory_space<vmem>>
    %dma_wait3A_331 = arith.constant 0 : i32
    %dma_wait3A_332 = arith.constant 0 : i32
    %dma_wait3A_333 = tpu.memref_slice %arg2[%dma_wait3A_331, %dma_wait3A_332] : memref<1000000x32xf32, #tpu.memory_space<hbm>> -> memref<1000000x32xf32, #tpu.memory_space<hbm>>
    tpu.wait_indirect_dma semaphore(%arg10 : memref<!tpu.dma_semaphore, #tpu.memory_space<semaphore_mem>>) src(%dma_wait3A_333 : memref<1000000x32xf32, #tpu.memory_space<hbm>>) dst(%dma_wait3A_327 : memref<128x32xf32, #tpu.memory_space<vmem>>)
    %mul3A_334 = arith.constant 13312 : i32
    %mul3A_335 = arith.muli %add3A, %mul3A_334 : i32
    %mul3A_336 = arith.constant 51 : i32
    %mul3A_337 = arith.constant 256 : i32
    %mul3A_338 = arith.muli %mul3A_336, %mul3A_337 : i32
    %add3A_339 = arith.addi %mul3A_335, %mul3A_338 : i32
    %dma_start3A_340 = arith.constant 3 : i32
    %dma_start3A_341 = arith.constant 0 : i32
    %dma_start3A_342 = arith.constant 0 : i32
    %dma_start3A_343 = tpu.memref_slice %arg6[%dma_start3A_340, %dma_start3A_341, %dma_start3A_342] : memref<4x256x32xf32, #tpu.memory_space<vmem>> -> memref<1x256x32xf32, #tpu.memory_space<vmem>>
    %dma_start3A_344 = tpu.memref_squeeze %dma_start3A_343 : memref<1x256x32xf32, #tpu.memory_space<vmem>> -> memref<256x32xf32, #tpu.memory_space<vmem>>
    %dma_start3A_345 = arith.constant 0 : i32
    %dma_start3A_346 = tpu.memref_slice %arg4[%add3A_339, %dma_start3A_345] : memref<425984x32xf32, #tpu.memory_space<hbm>> -> memref<256x32xf32, #tpu.memory_space<hbm>>
    %dma_start3A_347 = arith.constant 0 : i32
    %dma_start3A_348 = tpu.memref_slice %arg4[%add3A_339, %dma_start3A_347] : memref<425984x32xf32, #tpu.memory_space<hbm>> -> memref<256x32xf32, #tpu.memory_space<hbm>>
    %dma_start3A_349 = arith.constant 0 : i32
    %dma_start3A_350 = arith.constant 0 : i32
    %dma_start3A_351 = tpu.memref_slice %arg6[%dma_start3A_340, %dma_start3A_349, %dma_start3A_350] : memref<4x256x32xf32, #tpu.memory_space<vmem>> -> memref<1x256x32xf32, #tpu.memory_space<vmem>>
    %dma_start3A_352 = tpu.memref_squeeze %dma_start3A_351 : memref<1x256x32xf32, #tpu.memory_space<vmem>> -> memref<256x32xf32, #tpu.memory_space<vmem>>
    tpu.enqueue_dma source(%dma_start3A_352 : memref<256x32xf32, #tpu.memory_space<vmem>>) target(%dma_start3A_348 : memref<256x32xf32, #tpu.memory_space<hbm>>) target_semaphore(%arg14 : memref<!tpu.dma_semaphore, #tpu.memory_space<semaphore_mem>>)
    %mul3A_353 = arith.constant 13312 : i32
    %mul3A_354 = arith.muli %add3A, %mul3A_353 : i32
    %dma_wait3A_355 = arith.constant 0 : i32
    %dma_wait3A_356 = arith.constant 0 : i32
    %dma_wait3A_357 = arith.constant 0 : i32
    %dma_wait3A_358 = tpu.memref_slice %arg6[%dma_wait3A_355, %dma_wait3A_356, %dma_wait3A_357] : memref<4x256x32xf32, #tpu.memory_space<vmem>> -> memref<1x256x32xf32, #tpu.memory_space<vmem>>
    %dma_wait3A_359 = tpu.memref_squeeze %dma_wait3A_358 : memref<1x256x32xf32, #tpu.memory_space<vmem>> -> memref<256x32xf32, #tpu.memory_space<vmem>>
    %dma_wait3A_360 = arith.constant 0 : i32
    %dma_wait3A_361 = tpu.memref_slice %arg4[%mul3A_354, %dma_wait3A_360] : memref<425984x32xf32, #tpu.memory_space<hbm>> -> memref<256x32xf32, #tpu.memory_space<hbm>>
    %dma_wait3A_362 = arith.constant 0 : i32
    %dma_wait3A_363 = tpu.memref_slice %arg4[%mul3A_354, %dma_wait3A_362] : memref<425984x32xf32, #tpu.memory_space<hbm>> -> memref<256x32xf32, #tpu.memory_space<hbm>>
    %dma_wait3A_364 = arith.constant 0 : i32
    %dma_wait3A_365 = arith.constant 0 : i32
    %dma_wait3A_366 = tpu.memref_slice %arg6[%dma_wait3A_355, %dma_wait3A_364, %dma_wait3A_365] : memref<4x256x32xf32, #tpu.memory_space<vmem>> -> memref<1x256x32xf32, #tpu.memory_space<vmem>>
    %dma_wait3A_367 = tpu.memref_squeeze %dma_wait3A_366 : memref<1x256x32xf32, #tpu.memory_space<vmem>> -> memref<256x32xf32, #tpu.memory_space<vmem>>
    tpu.wait_dma2 semaphore(%arg11 : memref<!tpu.dma_semaphore, #tpu.memory_space<semaphore_mem>>) src(%dma_wait3A_367 : memref<256x32xf32, #tpu.memory_space<vmem>>) dst(%dma_wait3A_363 : memref<256x32xf32, #tpu.memory_space<hbm>>)
    %mul3A_368 = arith.constant 13312 : i32
    %mul3A_369 = arith.muli %add3A, %mul3A_368 : i32
    %dma_wait3A_370 = arith.constant 1 : i32
    %dma_wait3A_371 = arith.constant 0 : i32
    %dma_wait3A_372 = arith.constant 0 : i32
    %dma_wait3A_373 = tpu.memref_slice %arg6[%dma_wait3A_370, %dma_wait3A_371, %dma_wait3A_372] : memref<4x256x32xf32, #tpu.memory_space<vmem>> -> memref<1x256x32xf32, #tpu.memory_space<vmem>>
    %dma_wait3A_374 = tpu.memref_squeeze %dma_wait3A_373 : memref<1x256x32xf32, #tpu.memory_space<vmem>> -> memref<256x32xf32, #tpu.memory_space<vmem>>
    %dma_wait3A_375 = arith.constant 0 : i32
    %dma_wait3A_376 = tpu.memref_slice %arg4[%mul3A_369, %dma_wait3A_375] : memref<425984x32xf32, #tpu.memory_space<hbm>> -> memref<256x32xf32, #tpu.memory_space<hbm>>
    %dma_wait3A_377 = arith.constant 0 : i32
    %dma_wait3A_378 = tpu.memref_slice %arg4[%mul3A_369, %dma_wait3A_377] : memref<425984x32xf32, #tpu.memory_space<hbm>> -> memref<256x32xf32, #tpu.memory_space<hbm>>
    %dma_wait3A_379 = arith.constant 0 : i32
    %dma_wait3A_380 = arith.constant 0 : i32
    %dma_wait3A_381 = tpu.memref_slice %arg6[%dma_wait3A_370, %dma_wait3A_379, %dma_wait3A_380] : memref<4x256x32xf32, #tpu.memory_space<vmem>> -> memref<1x256x32xf32, #tpu.memory_space<vmem>>
    %dma_wait3A_382 = tpu.memref_squeeze %dma_wait3A_381 : memref<1x256x32xf32, #tpu.memory_space<vmem>> -> memref<256x32xf32, #tpu.memory_space<vmem>>
    tpu.wait_dma2 semaphore(%arg12 : memref<!tpu.dma_semaphore, #tpu.memory_space<semaphore_mem>>) src(%dma_wait3A_382 : memref<256x32xf32, #tpu.memory_space<vmem>>) dst(%dma_wait3A_378 : memref<256x32xf32, #tpu.memory_space<hbm>>)
    %mul3A_383 = arith.constant 13312 : i32
    %mul3A_384 = arith.muli %add3A, %mul3A_383 : i32
    %dma_wait3A_385 = arith.constant 2 : i32
    %dma_wait3A_386 = arith.constant 0 : i32
    %dma_wait3A_387 = arith.constant 0 : i32
    %dma_wait3A_388 = tpu.memref_slice %arg6[%dma_wait3A_385, %dma_wait3A_386, %dma_wait3A_387] : memref<4x256x32xf32, #tpu.memory_space<vmem>> -> memref<1x256x32xf32, #tpu.memory_space<vmem>>
    %dma_wait3A_389 = tpu.memref_squeeze %dma_wait3A_388 : memref<1x256x32xf32, #tpu.memory_space<vmem>> -> memref<256x32xf32, #tpu.memory_space<vmem>>
    %dma_wait3A_390 = arith.constant 0 : i32
    %dma_wait3A_391 = tpu.memref_slice %arg4[%mul3A_384, %dma_wait3A_390] : memref<425984x32xf32, #tpu.memory_space<hbm>> -> memref<256x32xf32, #tpu.memory_space<hbm>>
    %dma_wait3A_392 = arith.constant 0 : i32
    %dma_wait3A_393 = tpu.memref_slice %arg4[%mul3A_384, %dma_wait3A_392] : memref<425984x32xf32, #tpu.memory_space<hbm>> -> memref<256x32xf32, #tpu.memory_space<hbm>>
    %dma_wait3A_394 = arith.constant 0 : i32
    %dma_wait3A_395 = arith.constant 0 : i32
    %dma_wait3A_396 = tpu.memref_slice %arg6[%dma_wait3A_385, %dma_wait3A_394, %dma_wait3A_395] : memref<4x256x32xf32, #tpu.memory_space<vmem>> -> memref<1x256x32xf32, #tpu.memory_space<vmem>>
    %dma_wait3A_397 = tpu.memref_squeeze %dma_wait3A_396 : memref<1x256x32xf32, #tpu.memory_space<vmem>> -> memref<256x32xf32, #tpu.memory_space<vmem>>
    tpu.wait_dma2 semaphore(%arg13 : memref<!tpu.dma_semaphore, #tpu.memory_space<semaphore_mem>>) src(%dma_wait3A_397 : memref<256x32xf32, #tpu.memory_space<vmem>>) dst(%dma_wait3A_393 : memref<256x32xf32, #tpu.memory_space<hbm>>)
    %mul3A_398 = arith.constant 13312 : i32
    %mul3A_399 = arith.muli %add3A, %mul3A_398 : i32
    %dma_wait3A_400 = arith.constant 3 : i32
    %dma_wait3A_401 = arith.constant 0 : i32
    %dma_wait3A_402 = arith.constant 0 : i32
    %dma_wait3A_403 = tpu.memref_slice %arg6[%dma_wait3A_400, %dma_wait3A_401, %dma_wait3A_402] : memref<4x256x32xf32, #tpu.memory_space<vmem>> -> memref<1x256x32xf32, #tpu.memory_space<vmem>>
    %dma_wait3A_404 = tpu.memref_squeeze %dma_wait3A_403 : memref<1x256x32xf32, #tpu.memory_space<vmem>> -> memref<256x32xf32, #tpu.memory_space<vmem>>
    %dma_wait3A_405 = arith.constant 0 : i32
    %dma_wait3A_406 = tpu.memref_slice %arg4[%mul3A_399, %dma_wait3A_405] : memref<425984x32xf32, #tpu.memory_space<hbm>> -> memref<256x32xf32, #tpu.memory_space<hbm>>
    %dma_wait3A_407 = arith.constant 0 : i32
    %dma_wait3A_408 = tpu.memref_slice %arg4[%mul3A_399, %dma_wait3A_407] : memref<425984x32xf32, #tpu.memory_space<hbm>> -> memref<256x32xf32, #tpu.memory_space<hbm>>
    %dma_wait3A_409 = arith.constant 0 : i32
    %dma_wait3A_410 = arith.constant 0 : i32
    %dma_wait3A_411 = tpu.memref_slice %arg6[%dma_wait3A_400, %dma_wait3A_409, %dma_wait3A_410] : memref<4x256x32xf32, #tpu.memory_space<vmem>> -> memref<1x256x32xf32, #tpu.memory_space<vmem>>
    %dma_wait3A_412 = tpu.memref_squeeze %dma_wait3A_411 : memref<1x256x32xf32, #tpu.memory_space<vmem>> -> memref<256x32xf32, #tpu.memory_space<vmem>>
    tpu.wait_dma2 semaphore(%arg14 : memref<!tpu.dma_semaphore, #tpu.memory_space<semaphore_mem>>) src(%dma_wait3A_412 : memref<256x32xf32, #tpu.memory_space<vmem>>) dst(%dma_wait3A_408 : memref<256x32xf32, #tpu.memory_space<hbm>>)
    return
  }
}

module attributes {stable_mosaic.version = 14 : i64} {
  func.func @_tc_transpose_body(%arg0: i32, %arg1: memref<32x512xf32, #tpu.memory_space<vmem>>, %arg2: memref<8x16x128xf32, #tpu.memory_space<vmem>>) attributes {dimension_semantics = [#tpu.dimension_semantics<arbitrary>], iteration_bounds = array<i64: 1954>, scalar_prefetch = 0 : i64, scratch_operands = 0 : i64, tpu.core_type = #tpu.core_type<tc>, window_params = [{transform_indices = @transform_0, window_bounds = array<i64: 32, 512>}, {transform_indices = @transform_1, window_bounds = array<i64: 8, 16, 128>}]} {
    %get3A = arith.constant 0 : index
    %get3A_0 = arith.constant 0 : index
    %get3A_1 = vector.load %arg1[%get3A, %get3A_0] : memref<32x512xf32, #tpu.memory_space<vmem>>, vector<32x512xf32>
    %transpose3A = tpu.transpose %get3A_1, [1, 0] : vector<32x512xf32> -> vector<512x32xf32>
    %reshape3A = vector.shape_cast %transpose3A : vector<512x32xf32> to vector<8x16x4x32xf32>
    %slice3A = vector.extract_strided_slice %reshape3A {offsets = [0, 0, 0, 0], sizes = [8, 16, 1, 32], strides = [1, 1, 1, 1]} : vector<8x16x4x32xf32> to vector<8x16x1x32xf32>
    %squeeze3A = vector.shape_cast %slice3A : vector<8x16x1x32xf32> to vector<8x16x32xf32>
    %slice3A_2 = vector.extract_strided_slice %reshape3A {offsets = [0, 0, 1, 0], sizes = [8, 16, 1, 32], strides = [1, 1, 1, 1]} : vector<8x16x4x32xf32> to vector<8x16x1x32xf32>
    %squeeze3A_3 = vector.shape_cast %slice3A_2 : vector<8x16x1x32xf32> to vector<8x16x32xf32>
    %slice3A_4 = vector.extract_strided_slice %reshape3A {offsets = [0, 0, 2, 0], sizes = [8, 16, 1, 32], strides = [1, 1, 1, 1]} : vector<8x16x4x32xf32> to vector<8x16x1x32xf32>
    %squeeze3A_5 = vector.shape_cast %slice3A_4 : vector<8x16x1x32xf32> to vector<8x16x32xf32>
    %slice3A_6 = vector.extract_strided_slice %reshape3A {offsets = [0, 0, 3, 0], sizes = [8, 16, 1, 32], strides = [1, 1, 1, 1]} : vector<8x16x4x32xf32> to vector<8x16x1x32xf32>
    %squeeze3A_7 = vector.shape_cast %slice3A_6 : vector<8x16x1x32xf32> to vector<8x16x32xf32>
    %concatenate3A = tpu.concatenate %squeeze3A, %squeeze3A_3, %squeeze3A_5, %squeeze3A_7 in 2 : vector<8x16x32xf32>, vector<8x16x32xf32>, vector<8x16x32xf32>, vector<8x16x32xf32> -> vector<8x16x128xf32>
    %swap3A = arith.constant 0 : index
    %swap3A_8 = arith.constant 0 : index
    %swap3A_9 = arith.constant 0 : index
    %swap3A_10 = vector.load %arg2[%swap3A, %swap3A_8, %swap3A_9] : memref<8x16x128xf32, #tpu.memory_space<vmem>>, vector<8x16x128xf32>
    tpu.vector_store %arg2[%swap3A, %swap3A_8, %swap3A_9], %concatenate3A {strides = array<i32>} : memref<8x16x128xf32, #tpu.memory_space<vmem>>, vector<8x16x128xf32>,
    return
  }
  func.func @transform_0(%arg0: i32) -> (i32, i32) {
    %c0_i32 = arith.constant 0 : i32
    %c0_i32_0 = arith.constant 0 : i32
    return %c0_i32, %arg0 : i32, i32
  }
  func.func @transform_1(%arg0: i32) -> (i32, i32, i32) {
    %c0_i32 = arith.constant 0 : i32
    %c0_i32_0 = arith.constant 0 : i32
    %c0_i32_1 = arith.constant 0 : i32
    return %arg0, %c0_i32, %c0_i32_0 : i32, i32, i32
  }
}

</mosaic_0001>

<sc_bundles>
// kernel: kernel.4.cloned.1.call-start
scs
__scs_entry_jumppad:
0x0: {  	(pc) =	sbr.rel $0x88, $3  }
0x1: {  	(tag) =	ssettag $0x0;
	lr =	simm.s32 $0x1  }
0x2: {  	[smem:$0x3F9F] =	sst lr;
	_ =	strace $0xD0000000  }
0x3: {  	_ = 	snop  }
0x4: {  	_ = 	snop  }
0x5: {  	_ = 	snop  }
0x6: {  	_ = 	snop  }
0x7: {  	_ = 	snop  }
__scs_overlays_trampoline_lowered:
0x8: {  	[smem:$0x3FAE] =	sst s0  }
0x9: {  	[smem:$0x3FAF] =	sst s1  }
0xa: {  	[smem:$0x3FB0] =	sst s2  }
0xb: {  	[smem:$0x3FB1] =	sst s3  }
0xc: {  	[smem:$0x3FB2] =	sst s4  }
0xd: {  	[smem:$0x3FB3] =	sst s5  }
0xe: {  	[smem:$0x3FB4] =	sst s6  }
0xf: {  	[smem:$0x3FB5] =	sst s7  }
0x10: {  	[smem:$0x3FB6] =	sst s8  }
0x11: {  	[smem:$0x3FB7] =	sst s9;
	s0 =	simm.s32 @!p0 $0x0  }
0x12: {  	s1 =	sld [smem:$0x3F9D];
	s0 =	simm.s32 @p0 $0x1  }
0x13: {  	[smem:$0x3FB8] =	sst s0;
	s0 =	simm.s32 @!p1 $0x0  }
0x14: {  	s2 =	sld [smem:$0x3F9C];
	s0 =	simm.s32 @p1 $0x1  }
0x15: {  	[smem:$0x3FB9] =	sst s0;
	s0 =	simm.s32 @!p2 $0x0  }
0x16: {  	s3 =	sld [smem:$0x3FDB];
	s0 =	simm.s32 @p2 $0x1  }
0x17: {  	s4 =	simm.s32 $0x1BF5;
	[smem:$0x3FBB] =	sst s0  }
0x18: {  	s0 =	sld [smem:$0x3F9E];
	_ =	swait.ge [sflag:s4], $0x0  }
0x19: {  	s7 =	sld [smem:$0x3F9F]  }
0x1a: {  	s8 =	sadd.s32 $0xFFFFE003, lr  }
0x1b: {  	s9 =	sadd.s32 $0xFFFFFEF7, lr;
	s5 =	simm.s32 $0xFFFFFFFF;
	p2 =	slt.u32 s8, $0xFFFFF086  }
0x1c: {  	p1 =	slt.u32 s9, $0xF7A;
	s5 =	simm.s32 @!p2 $0x0  }
0x1d: {  	s5 =	simm.s32 @p1 $0x1;
	p0 =	seq.s32 s7, s2  }
0x1e: {  	s7 =	smul.u32 @!p0 $0xF7A, s2;
	p2 =	seq.s32 @!p0 s5, $0x0  }
0x1f: {  	s9 =	smul.u32 $0xF7A, s1;
	s8 =	simm.s32 @!p0 $0x1BF5;
	p2 =	por !p2, p0  }
0x20: {  	[sflag:s8] =	ssyncset.s32 @!p0 $0xFFFFF086;
	s6 =	sadd.s32 @!p0 s3, s7;
	s7 =	simm.s32 @!p0 $0x108  }
0x21: {  	s3 =	sadd.s32 s3, s9;
	s6 =	sadd.s32 @!p0 $0x88, s6;
	s7 =	simm.s32 @p2 $0x1082  }
0x22: {  	[simem:s7], [sflag:s8] =	dma.local @!p0 [hbm:s6], $0xF7A  }
0x23: {  	s9 =	sor.u32 $0xD0000000, s2;
	s6 =	simm.s32 $0x108;
	_ =	swait.ge @!p0 [sflag:s8], $0x0  }
0x24: {  	s3 =	sadd.s32 $0x88, s3;
	s6 =	simm.s32 @!p1 $0x1082;
	[sflag:s4] =	ssyncset.s32 $0xFFFFF086  }
0x25: {  	[simem:s6], [sflag:s4] =	dma.local [hbm:s3], $0xF7A  }
0x26: {  	[smem:$0x3F9F] =	sst s1;
	(tag) =	ssettag s2;
	_ =	strace s9  }
0x27: {  	s1 =	sld [smem:$0x3FAF]  }
0x28: {  	s2 =	sld [smem:$0x3FB0]  }
0x29: {  	s4 =	sld [smem:$0x3FB2]  }
0x2a: {  	p0 =	seq.s32 s5, $0x0;
	s5 =	sld [smem:$0x3FB3]  }
0x2b: {  	s6 =	sld [smem:$0x3FB4]  }
0x2c: {  	s7 =	sld [smem:$0x3FB5]  }
0x2d: {  	s3 =	simm.s32 $0x108;
	s8 =	sld [smem:$0x3FB6]  }
0x2e: {  	s3 =	simm.s32 @!p0 $0x1082;
	s9 =	sld [smem:$0x3FB7]  }
0x2f: {  	lr =	sadd.s32 s0, s3;
	s0 =	sld [smem:$0x3FAE]  }
0x30: {  	s3 =	sld [smem:$0x3FB1]  }
0x31: {  	[smem:$0x3FBA] =	sst s10  }
0x32: {  	s10 =	sld [smem:$0x3FB8];
	_ =	sdelay $0x3  }
0x33: {  	p0 =	seq.s32 s10, $0x1;
	s10 =	sld [smem:$0x3FBA];
	_ =	sdelay $0x3  }
0x34: {  	[smem:$0x3FBA] =	sst s10  }
0x35: {  	s10 =	sld [smem:$0x3FB9];
	_ =	sdelay $0x3  }
0x36: {  	p1 =	seq.s32 s10, $0x1;
	s10 =	sld [smem:$0x3FBA];
	_ =	sdelay $0x3  }
0x37: {  	[smem:$0x3FBA] =	sst s10  }
0x38: {  	s10 =	sld [smem:$0x3FBB]  }
0x39: {  	_ = 	snop;
	(pc) =	sbr.ind lr, $3  }
0x3a: {  	_ = 	snop  }
0x3b: {  	_ = 	snop  }
0x3c: {  	p2 =	seq.s32 s10, $0x1;
	s10 =	sld [smem:$0x3FBA]  }
0x3d: {  	_ =	shalt  }
0x3e: {  	_ =	shalt  }
0x3f: {  	_ =	shalt  }
0x40: {  	_ =	shalt  }
0x41: {  	_ =	shalt  }
0x42: {  	_ =	shalt  }
0x43: {  	_ =	shalt  }
0x44: {  	_ =	shalt  }
0x45: {  	_ =	shalt  }
0x46: {  	_ =	shalt  }
0x47: {  	_ =	shalt  }
0x48: {  	_ =	shalt  }
0x49: {  	_ =	shalt  }
0x4a: {  	_ =	shalt  }
0x4b: {  	_ =	shalt  }
0x4c: {  	_ =	shalt  }
0x4d: {  	_ =	shalt  }
0x4e: {  	_ =	shalt  }
0x4f: {  	_ =	shalt  }
0x50: {  	_ =	shalt  }
0x51: {  	_ =	shalt  }
0x52: {  	_ =	shalt  }
0x53: {  	_ =	shalt  }
0x54: {  	_ =	shalt  }
0x55: {  	_ =	shalt  }
0x56: {  	_ =	shalt  }
0x57: {  	_ =	shalt  }
0x58: {  	_ =	shalt  }
0x59: {  	_ =	shalt  }
0x5a: {  	_ =	shalt  }
0x5b: {  	_ =	shalt  }
0x5c: {  	_ =	shalt  }
0x5d: {  	_ =	shalt  }
0x5e: {  	_ =	shalt  }
0x5f: {  	_ =	shalt  }
0x60: {  	_ =	shalt  }
0x61: {  	_ =	shalt  }
0x62: {  	_ =	shalt  }
0x63: {  	_ =	shalt  }
0x64: {  	_ =	shalt  }
0x65: {  	_ =	shalt  }
0x66: {  	_ =	shalt  }
0x67: {  	_ =	shalt  }
0x68: {  	_ =	shalt  }
0x69: {  	_ =	shalt  }
0x6a: {  	_ =	shalt  }
0x6b: {  	_ =	shalt  }
0x6c: {  	_ =	shalt  }
0x6d: {  	_ =	shalt  }
0x6e: {  	_ =	shalt  }
0x6f: {  	_ =	shalt  }
0x70: {  	_ =	shalt  }
0x71: {  	_ =	shalt  }
0x72: {  	_ =	shalt  }
0x73: {  	_ =	shalt  }
0x74: {  	_ =	shalt  }
0x75: {  	_ =	shalt  }
0x76: {  	_ =	shalt  }
0x77: {  	_ =	shalt  }
0x78: {  	_ =	shalt  }
0x79: {  	_ =	shalt  }
0x7a: {  	_ =	shalt  }
0x7b: {  	_ =	shalt  }
0x7c: {  	_ =	shalt  }
0x7d: {  	_ =	shalt  }
0x7e: {  	_ =	shalt  }
0x7f: {  	_ =	shalt  }
0x80: {  	_ =	shalt  }
0x81: {  	_ =	shalt  }
0x82: {  	_ =	shalt  }
0x83: {  	_ =	shalt  }
0x84: {  	_ =	shalt  }
0x85: {  	_ =	shalt  }
0x86: {  	_ =	shalt  }
0x87: {  	_ =	shalt  }
.Lfunc_end0:
.L_simem_size_0:
called_computation.1_lowered:
.L_overlay_start_0:
0x88: {  	s2 =	sld [smem:$0x3FD9]  }
0x89: {  	s3 =	sld [smem:$0x3FFE];
	_ =	sdelay $0x1  }
0x8a: {  	s1 =	srdreg.scid  }
0x8b: {  	s0 =	sand.u32 $0x1, s1  }
0x8c: {  	s17 =	sshll.u32 s0, $0xA;
	s2 =	sadd.s32 s3, s2  }
0x8d: {  	s2 =	sadd.s32 s2, s17  }
0x8e: {  	[smem:$0x3FC6] =	sst s2  }
0x8f: {  	_ = 	snop  }
0x90: {  	s2 =	sld [smem:$0x3FD0];
	(tm) =	ssettm $0x1  }
0x91: {  	s18 =	sld [smem:$0x3FFB];
	_ =	sdelay $0x3  }
0x92: {  	_ =	strace s18  }
0x93: {  	s3 =	sld [smem:$0x3FFC];
	_ =	sdelay $0x3  }
0x94: {  	_ =	strace s3  }
0x95: {  	s3 =	sld [smem:$0x3FFD];
	_ =	sdelay $0x3  }
0x96: {  	_ =	strace s3  }
0x97: {  	_ =	strace $0x8FFFFFFF  }
0x98: {  	s19 =	sld [smem:$0x3FDB];
	_ =	sdelay $0x1  }
0x99: {  	s4 =	simm.s32 $_scs_section_size  }
0x9a: {  	s5 =	simm.s32 $_size__tile_overlayer_lowered;
	s6 =	simm.s32 $_tile_overlayer_lowered  }
0x9b: {  	s22 =	simm.s32 $0x1BFF;
	s21 =	sshll.u32 s6, $0x1;
	s3 =	sadd.s32 s4, s19  }
0x9c: {  	s7 =	simm.s32 $0x0;
	s20 =	sshll.u32 s5, $0x1;
	s5 =	sadd.s32 s21, s3  }
0x9d: {  	[timem:s7], [sflag:s22] =	dma.local [hbm:s5], s20  }
0x9e: {  	_ =	swait.ge [sflag:s22], s20  }
0x9f: {  	s4 =	ssub.s32 $0x0, s20;
	[sflag:s22] =	ssyncset.done $0x0  }
0xa0: {  	[sflag:s22] =	ssyncadd.s32 s4;
	_ =	sdelay $0x1  }
0xa1: {  	s23 =	simm.s32 $0x1B8B  }
0xa2: {  	_ =	swait.ge [sflag:s23], $0x1  }
0xa3: {  	[sflag:s23] =	ssyncset.done $0x0  }
0xa4: {  	s25 =	simm.s32 $0x1B8E;
	s24 =	sld [smem:$0x3FFE];
	[sflag:s23] =	ssyncadd.s32 $0xFFFFFFFF  }
0xa5: {  	s26 =	simm.s32 $execute0_lowered;
	[smem:$0x3FD2] =	sst s25  }
0xa6: {  	s5 =	sshll.u32 s26, $0x1;
	_ =	strace $0x80000046;
	[dreg:$0x1] =	wrdreg $0xFFFFFFFF  }
0xa7: {  	s28 =	simm.s32 $_size_execute0_lowered;
	s3 =	sadd.s32 s3, s5;
	[dreg:$0x0] =	wrdreg $0x0  }
0xa8: {  	s5 =	sshll.u32 s28, $0x1;
	[dreg:$0x2] =	wrdreg s3  }
0xa9: {  	[dreg:$0x3] =	wrdreg s5  }
0xaa: {  	[dreg:$0x4] =	wrdreg $0xC0  }
0xab: {  	_ =	task [dreg:s7], $0x5FFFF  }
0xac: {  	[dreg:$0x1] =	wrdreg $0xFFFFFFFF  }
0xad: {  	[dreg:$0x0] =	wrdreg $0x60  }
0xae: {  	[dreg:$0x2] =	wrdreg s24  }
0xaf: {  	[dreg:$0x3] =	wrdreg s2  }
0xb0: {  	[dreg:$0x4] =	wrdreg $0x9  }
0xb1: {  	_ =	task.clear_ibuf [dreg:s7], $0x5FFFF;
	_ =	strace $0x90000046  }
0xb2: {  	s29 =	simm.s32 $0x9;
	_ =	strace $0x80000048  }
0xb3: {  	_ =	swait.ge [sflag:s29], $0x1  }
0xb4: {  	[sflag:s29] =	ssyncadd.s32 $0xFFFFFFFF  }
0xb5: {  	_ =	strace $0x90000048  }
0xb6: {  	_ =	sfence  }
0xb7: {  	s30 =	sld [smem:$0x0];
	_ =	sdelay $0x2  }
0xb8: {  	s31 =	sshll.u32 s1, $0xD;
	s1 =	sshrl.u32 s1, $0x2  }
0xb9: {  	s3 =	sand.u32 $0x4000, s31;
	s1 =	sadd.s32 s1, s30  }
0xba: {  	s0 =	sor.u32 s3, s0;
	s1 =	sshll.u32 s1, $0x11  }
0xbb: {  	s0 =	sor.u32 s1, s0  }
0xbc: {  	s0 =	sadd.s32 $0x8F2B, s0  }
0xbd: {  	[sflag:s0] =	ssyncadd.remote.s32 $0x1  }
0xbe: {  	_ =	sfence.sel $0xFFFF  }
0xbf: {  	[dreg:$0x0] =	wrdreg $0xFFFFFFFF;
	(pc) =	sbr.abs _section_cstart, $3  }
0xc0: {  	[dreg:$0x1] =	wrdreg $0xFFFFFFFF  }
0xc1: {  	_ =	task.clear_ibuf [dreg:s7], $0x2FFFF;
	_ =	strace $0x9FFFFFFF  }
0xc2: {  	(tm) =	ssettm $0x7FFFFFFF  }
0xc3: {  	_ =	shalt  }
tec
execute0_lowered:
.L_overlay_start_1:
0x0: {  	(tag) =	ssettag $0x1  }
0x1: {  	s0 =	srdreg.scid  }
0x2: {  	s9 =	stileid.u32;
	s3 =	rddreg [dreg:$0x0]  }
0x3: {  	s6 =	rddreg [dreg:$0x1];
	s2 =	simm.s32 $0x0;
	s11 =	simm.s32 $0x80  }
0x4: {  	s12 =	simm.s32 $0x3400;
	s13 =	simm.s32 $0x4400;
	s15 =	simm.s32 $0x5400  }
0x5: {  	s17 =	simm.s32 $0x6400;
	s19 =	simm.s32 $0x7400;
	s21 =	simm.s32 $0x8400  }
0x6: {  	s23 =	simm.s32 $0x9400;
	s24 =	simm.s32 $0x380;
	s28 =	simm.s32 $0x2  }
0x7: {  	s29 =	simm.s32 $0x3;
	s30 =	simm.s32 $0x4;
	s5 =	smul.u32 $0xD0000, s9  }
0x8: {  	s0 =	sand.u32 $0x1, s0;
	s1 =	sshll.u32 s9, $0x1;
	s9 =	smul.u32 $0x6800, s9  }
0x9: {  	s31 =	simm.s32 $0x5;
	s14 =	simm.s32 $0x8;
	s7 =	smul.u32 $0x68000, s0  }
0xa: {  	s1 =	sor.u32 s0, s1;
	s8 =	ssub.s32 $0x2, s0;
	s0 =	smul.u32 $0x3400, s0  }
0xb: {  	s16 =	simm.s32 $0x0;
	[smem:$0x7FF] =	sst s2;
	s4 =	smul.u32 $0x3400, s1  }
0xc: {  	_ =	strace $0x80000047;
	s1 =	smul.u32 $0x68000, s1;
	s10 =	sshrl.u32 s8, $0x1  }
0xd: {  	s10 =	ssub.s32 s8, s10;
	s5 =	sadd.s32 s7, s5;
	s0 =	sadd.s32 s0, s9  }
0xe: {  	s4 =	sshrl.u32 s4, $0x3;
	s1 =	sshrl.u32 s1, $0x3;
	s7 =	sshrl.u32 s5, $0x3  }
0xf: {  	s0 =	sshll.u32 s0, $0x2;
	s9 =	smax.u32 s10, $0x1;
	s10 =	simm.s32 $0x9  }
0x10: {  	s4 =	sadd.s32 s4, s3;
	s3 =	sadd.s32 $0xD800, s3;
	s1 =	sadd.s32 s6, s1  }
0x11: {  	s7 =	sadd.s32 s7, s6;
	s0 =	sadd.s32 s0, s6;
	s4 =	sadd.s32 $0x800, s4  }
0x12: {  	s5 =	sadd.s32 $0xC000, s1;
	[dreg:$0x3] =	wrdreg s7;
	s25 =	sadd.s32 $0xC00, s0  }
0x13: {  	s6 =	sadd.s32 $0xC400, s1;
	s26 =	sadd.s32 $0x800, s0;
	[dreg:$0x4] =	wrdreg s25  }
0x14: {  	s7 =	sadd.s32 $0xC800, s1;
	s0 =	sadd.s32 $0x400, s0;
	[dreg:$0x5] =	wrdreg s26  }
0x15: {  	s8 =	sadd.s32 $0xCC00, s1;
	s1 =	simm.s32 $0x6;
	[dreg:$0x6] =	wrdreg s0  }
0x16: {  	s25 =	simm.s32 $0xA400;
	s26 =	simm.s32 $0x1;
	s0 =	simm.s32 $0x7  }
.LBB2_1:
0x17: {  	[tilespmem:s2], [sflag:$0x9] =	stream.linear.gather [hbm4b:s4+s2], $0x3400, $0x38;
	[tilespmem:$0xB400] =	vst v63  }
0x18: {  	_ =	swait.ge [sflag:s10], $0x3400  }
0x19: {  	[sflag:s10] =	ssyncset.done $0x0  }
0x1a: {  	[sflag:s10] =	ssyncadd.s32 $0xFFFFCC00  }
0x1b: {  	[tilespmem:s12], [sflag:$0x1] =	stream.indirect.gather [hbm4b:s3+s11], $0x20, s2, s11, $0xb8;
	[tilespmem:$0xB400] =	vst v63  }
0x1c: {  	_ = 	snop  }
0x1d: {  	[tilespmem:s13], [sflag:$0x1] =	stream.indirect.gather [hbm4b:s3+s11], $0x20, s11, s11, $0xb8;
	[tilespmem:$0xB400] =	vst v63  }
0x1e: {  	s18 =	simm.s32 $0x100  }
0x1f: {  	[tilespmem:s15], [sflag:$0x2] =	stream.indirect.gather [hbm4b:s3+s11], $0x20, s18, s11, $0xb8;
	[tilespmem:$0xB400] =	vst v63  }
0x20: {  	s22 =	simm.s32 $0x180  }
0x21: {  	[tilespmem:s17], [sflag:$0x2] =	stream.indirect.gather [hbm4b:s3+s11], $0x20, s22, s11, $0xb8;
	[tilespmem:$0xB400] =	vst v63  }
0x22: {  	s20 =	simm.s32 $0x200  }
0x23: {  	[tilespmem:s19], [sflag:$0x3] =	stream.indirect.gather [hbm4b:s3+s11], $0x20, s20, s11, $0xb8;
	[tilespmem:$0xB400] =	vst v63  }
0x24: {  	s22 =	simm.s32 $0x280  }
0x25: {  	[tilespmem:s21], [sflag:$0x3] =	stream.indirect.gather [hbm4b:s3+s11], $0x20, s22, s11, $0xb8;
	[tilespmem:$0xB400] =	vst v63  }
0x26: {  	s20 =	simm.s32 $0x300  }
0x27: {  	[tilespmem:s23], [sflag:$0x4] =	stream.indirect.gather [hbm4b:s3+s11], $0x20, s20, s11, $0xb8;
	[tilespmem:$0xB400] =	vst v63  }
0x28: {  	_ = 	snop  }
0x29: {  	[tilespmem:s25], [sflag:$0x4] =	stream.indirect.gather [hbm4b:s3+s11], $0x20, s24, s11, $0xb8;
	[tilespmem:$0xB400] =	vst v63  }
0x2a: {  	_ =	swait.ge [sflag:s26], $0x1000  }
0x2b: {  	[sflag:s26] =	ssyncset.done $0x0  }
0x2c: {  	[sflag:s26] =	ssyncadd.s32 $0xFFFFF000  }
0x2d: {  	_ =	swait.ge [sflag:s26], $0x1000  }
0x2e: {  	s22 =	rddreg [dreg:$0x3];
	[sflag:s26] =	ssyncset.done $0x0  }
0x2f: {  	[sflag:s26] =	ssyncadd.s32 $0xFFFFF000;
	s18 =	sadd.s32 $0x0, s22  }
0x30: {  	[hbm4b:s18+s2] =	stream.linear.scatter [tilespmem:s12], [sflag:$0x5], $0x2000, $0x38;
	[tilespmem:$0xB400] =	vst v63  }
0x31: {  	_ =	swait.ge [sflag:s28], $0x1000  }
0x32: {  	[sflag:s28] =	ssyncset.done $0x0  }
0x33: {  	[sflag:s28] =	ssyncadd.s32 $0xFFFFF000  }
0x34: {  	_ =	swait.ge [sflag:s28], $0x1000  }
0x35: {  	s20 =	rddreg [dreg:$0x6];
	[sflag:s28] =	ssyncset.done $0x0  }
0x36: {  	[sflag:s28] =	ssyncadd.s32 $0xFFFFF000;
	s18 =	sadd.s32 $0x0, s20  }
0x37: {  	[hbm4b:s18+s2] =	stream.linear.scatter [tilespmem:s15], [sflag:$0x6], $0x2000, $0x38;
	[tilespmem:$0xB400] =	vst v63  }
0x38: {  	_ =	swait.ge [sflag:s29], $0x1000  }
0x39: {  	[sflag:s29] =	ssyncset.done $0x0  }
0x3a: {  	[sflag:s29] =	ssyncadd.s32 $0xFFFFF000  }
0x3b: {  	_ =	swait.ge [sflag:s29], $0x1000  }
0x3c: {  	s22 =	rddreg [dreg:$0x5];
	[sflag:s29] =	ssyncset.done $0x0  }
0x3d: {  	[sflag:s29] =	ssyncadd.s32 $0xFFFFF000;
	s18 =	sadd.s32 $0x0, s22  }
0x3e: {  	[hbm4b:s18+s2] =	stream.linear.scatter [tilespmem:s19], [sflag:$0x7], $0x2000, $0x38;
	[tilespmem:$0xB400] =	vst v63  }
0x3f: {  	_ =	swait.ge [sflag:s30], $0x1000  }
0x40: {  	[sflag:s30] =	ssyncset.done $0x0  }
0x41: {  	[sflag:s30] =	ssyncadd.s32 $0xFFFFF000  }
0x42: {  	_ =	swait.ge [sflag:s30], $0x1000  }
0x43: {  	s20 =	rddreg [dreg:$0x4];
	[sflag:s30] =	ssyncset.done $0x0  }
0x44: {  	[sflag:s30] =	ssyncadd.s32 $0xFFFFF000;
	s18 =	sadd.s32 $0x0, s20  }
0x45: {  	[hbm4b:s18+s2] =	stream.linear.scatter [tilespmem:s23], [sflag:$0x8], $0x2000, $0x38;
	[tilespmem:$0xB400] =	vst v63  }
0x46: {  	_ =	swait.ge [sflag:s31], $0x2000  }
0x47: {  	[sflag:s31] =	ssyncset.done $0x0  }
0x48: {  	s22 =	simm.s32 $0x400;
	[sflag:s31] =	ssyncadd.s32 $0xFFFFE000  }
0x49: {  	[tilespmem:s12], [sflag:$0x1] =	stream.indirect.gather [hbm4b:s3+s11], $0x20, s22, s11, $0xb8;
	[tilespmem:$0xB400] =	vst v63  }
0x4a: {  	s20 =	simm.s32 $0x480  }
0x4b: {  	[tilespmem:s13], [sflag:$0x1] =	stream.indirect.gather [hbm4b:s3+s11], $0x20, s20, s11, $0xb8;
	[tilespmem:$0xB400] =	vst v63  }
0x4c: {  	_ =	swait.ge [sflag:s1], $0x2000  }
0x4d: {  	[sflag:s1] =	ssyncset.done $0x0  }
0x4e: {  	s22 =	simm.s32 $0x500;
	[sflag:s1] =	ssyncadd.s32 $0xFFFFE000  }
0x4f: {  	[tilespmem:s15], [sflag:$0x2] =	stream.indirect.gather [hbm4b:s3+s11], $0x20, s22, s11, $0xb8;
	[tilespmem:$0xB400] =	vst v63  }
0x50: {  	s20 =	simm.s32 $0x580  }
0x51: {  	[tilespmem:s17], [sflag:$0x2] =	stream.indirect.gather [hbm4b:s3+s11], $0x20, s20, s11, $0xb8;
	[tilespmem:$0xB400] =	vst v63  }
0x52: {  	_ =	swait.ge [sflag:s0], $0x2000  }
0x53: {  	[sflag:s0] =	ssyncset.done $0x0  }
0x54: {  	s22 =	simm.s32 $0x600;
	[sflag:s0] =	ssyncadd.s32 $0xFFFFE000  }
0x55: {  	[tilespmem:s19], [sflag:$0x3] =	stream.indirect.gather [hbm4b:s3+s11], $0x20, s22, s11, $0xb8;
	[tilespmem:$0xB400] =	vst v63  }
0x56: {  	s20 =	simm.s32 $0x680  }
0x57: {  	[tilespmem:s21], [sflag:$0x3] =	stream.indirect.gather [hbm4b:s3+s11], $0x20, s20, s11, $0xb8;
	[tilespmem:$0xB400] =	vst v63  }
0x58: {  	_ =	swait.ge [sflag:s14], $0x2000  }
0x59: {  	s18 =	simm.s32 $0x1000;
	[sflag:s14] =	ssyncset.done $0x0  }
0x5a: {  	s22 =	simm.s32 $0x700;
	s20 =	simm.s32 $0x780;
	[sflag:s14] =	ssyncadd.s32 $0xFFFFE000  }
0x5b: {  	[tilespmem:s23], [sflag:$0x4] =	stream.indirect.gather [hbm4b:s3+s11], $0x20, s22, s11, $0xb8;
	[tilespmem:$0xB400] =	vst v63  }
.LBB2_2:
0x5c: {  	[tilespmem:s25], [sflag:$0x4] =	stream.indirect.gather [hbm4b:s3+s11], $0x20, s20, s11, $0xb8;
	[tilespmem:$0xB400] =	vst v63  }
0x5d: {  	_ =	swait.ge [sflag:s26], $0x1000  }
0x5e: {  	[sflag:s26] =	ssyncset.done $0x0  }
0x5f: {  	[sflag:s26] =	ssyncadd.s32 $0xFFFFF000  }
0x60: {  	_ =	swait.ge [sflag:s26], $0x1000  }
0x61: {  	s20 =	smov.u32 s18;
	s22 =	rddreg [dreg:$0x3];
	[sflag:s26] =	ssyncset.done $0x0  }
0x62: {  	[sflag:s26] =	ssyncadd.s32 $0xFFFFF000;
	s22 =	sadd.s32 s20, s22  }
0x63: {  	[hbm4b:s22+s2] =	stream.linear.scatter [tilespmem:s12], [sflag:$0x5], $0x2000, $0x38;
	[tilespmem:$0xB400] =	vst v63  }
0x64: {  	_ =	swait.ge [sflag:s28], $0x1000  }
0x65: {  	[sflag:s28] =	ssyncset.done $0x0  }
0x66: {  	[sflag:s28] =	ssyncadd.s32 $0xFFFFF000  }
0x67: {  	_ =	swait.ge [sflag:s28], $0x1000  }
0x68: {  	s22 =	rddreg [dreg:$0x6];
	[sflag:s28] =	ssyncset.done $0x0  }
0x69: {  	[sflag:s28] =	ssyncadd.s32 $0xFFFFF000;
	s22 =	sadd.s32 s20, s22  }
0x6a: {  	[hbm4b:s22+s2] =	stream.linear.scatter [tilespmem:s15], [sflag:$0x6], $0x2000, $0x38;
	[tilespmem:$0xB400] =	vst v63  }
0x6b: {  	_ =	swait.ge [sflag:s29], $0x1000  }
0x6c: {  	[sflag:s29] =	ssyncset.done $0x0  }
0x6d: {  	[sflag:s29] =	ssyncadd.s32 $0xFFFFF000  }
0x6e: {  	_ =	swait.ge [sflag:s29], $0x1000  }
0x6f: {  	s22 =	rddreg [dreg:$0x5];
	[sflag:s29] =	ssyncset.done $0x0  }
0x70: {  	[sflag:s29] =	ssyncadd.s32 $0xFFFFF000;
	s22 =	sadd.s32 s20, s22  }
0x71: {  	[hbm4b:s22+s2] =	stream.linear.scatter [tilespmem:s19], [sflag:$0x7], $0x2000, $0x38;
	[tilespmem:$0xB400] =	vst v63  }
0x72: {  	_ =	swait.ge [sflag:s30], $0x1000  }
0x73: {  	[sflag:s30] =	ssyncset.done $0x0  }
0x74: {  	[sflag:s30] =	ssyncadd.s32 $0xFFFFF000  }
0x75: {  	_ =	swait.ge [sflag:s30], $0x1000  }
0x76: {  	s22 =	rddreg [dreg:$0x4];
	[sflag:s30] =	ssyncset.done $0x0  }
0x77: {  	[sflag:s30] =	ssyncadd.s32 $0xFFFFF000;
	s22 =	sadd.s32 s20, s22  }
0x78: {  	[hbm4b:s22+s2] =	stream.linear.scatter [tilespmem:s23], [sflag:$0x8], $0x2000, $0x38;
	[tilespmem:$0xB400] =	vst v63  }
0x79: {  	_ =	swait.ge [sflag:s31], $0x2000  }
0x7a: {  	s20 =	sshra.s32 s20, $0x2;
	[sflag:s31] =	ssyncset.done $0x0  }
0x7b: {  	s22 =	sadd.s32 $0x400, s20;
	[sflag:s31] =	ssyncadd.s32 $0xFFFFE000  }
0x7c: {  	[tilespmem:s12], [sflag:$0x1] =	stream.indirect.gather [hbm4b:s3+s11], $0x20, s22, s11, $0xb8;
	[tilespmem:$0xB400] =	vst v63  }
0x7d: {  	s22 =	sadd.s32 $0x480, s20  }
0x7e: {  	[tilespmem:s13], [sflag:$0x1] =	stream.indirect.gather [hbm4b:s3+s11], $0x20, s22, s11, $0xb8;
	[tilespmem:$0xB400] =	vst v63  }
0x7f: {  	_ =	swait.ge [sflag:s1], $0x2000  }
0x80: {  	[sflag:s1] =	ssyncset.done $0x0  }
0x81: {  	s22 =	sadd.s32 $0x500, s20;
	[sflag:s1] =	ssyncadd.s32 $0xFFFFE000  }
0x82: {  	[tilespmem:s15], [sflag:$0x2] =	stream.indirect.gather [hbm4b:s3+s11], $0x20, s22, s11, $0xb8;
	[tilespmem:$0xB400] =	vst v63  }
0x83: {  	s22 =	sadd.s32 $0x580, s20  }
0x84: {  	[tilespmem:s17], [sflag:$0x2] =	stream.indirect.gather [hbm4b:s3+s11], $0x20, s22, s11, $0xb8;
	[tilespmem:$0xB400] =	vst v63  }
0x85: {  	_ =	swait.ge [sflag:s0], $0x2000  }
0x86: {  	[sflag:s0] =	ssyncset.done $0x0  }
0x87: {  	s22 =	sadd.s32 $0x600, s20;
	[sflag:s0] =	ssyncadd.s32 $0xFFFFE000  }
0x88: {  	[tilespmem:s19], [sflag:$0x3] =	stream.indirect.gather [hbm4b:s3+s11], $0x20, s22, s11, $0xb8;
	[tilespmem:$0xB400] =	vst v63  }
0x89: {  	p0 =	sne.s32 s18, $0xB000;
	s22 =	sadd.s32 $0x680, s20  }
0x8a: {  	[tilespmem:s21], [sflag:$0x3] =	stream.indirect.gather [hbm4b:s3+s11], $0x20, s22, s11, $0xb8;
	[tilespmem:$0xB400] =	vst v63  }
.Ltmp0:
0x8b: {  	_ = 	snop;
	(pc) =	sbr.rel @p0 .LBB2_2-.Ltmp0, $4  }
0x8c: {  	_ =	swait.ge [sflag:s14], $0x2000  }
0x8d: {  	s18 =	sadd.s32 $0x1000, s18;
	[sflag:s14] =	ssyncset.done $0x0  }
0x8e: {  	s22 =	sadd.s32 $0x700, s20;
	s20 =	sadd.s32 $0x780, s20;
	[sflag:s14] =	ssyncadd.s32 $0xFFFFE000  }
0x8f: {  	[tilespmem:s23], [sflag:$0x4] =	stream.indirect.gather [hbm4b:s3+s11], $0x20, s22, s11, $0xb8;
	[tilespmem:$0xB400] =	vst v63  }
0x90: {  	[tilespmem:s25], [sflag:$0x4] =	stream.indirect.gather [hbm4b:s3+s11], $0x20, s20, s11, $0xb8;
	[tilespmem:$0xB400] =	vst v63  }
0x91: {  	_ =	swait.ge [sflag:s26], $0x1000  }
0x92: {  	[sflag:s26] =	ssyncset.done $0x0  }
0x93: {  	[sflag:s26] =	ssyncadd.s32 $0xFFFFF000  }
0x94: {  	_ =	swait.ge [sflag:s26], $0x1000  }
0x95: {  	[sflag:s26] =	ssyncset.done $0x0  }
0x96: {  	[sflag:s26] =	ssyncadd.s32 $0xFFFFF000  }
0x97: {  	[hbm4b:s5+s2] =	stream.linear.scatter [tilespmem:s12], [sflag:$0x5], $0x2000, $0x38;
	[tilespmem:$0xB400] =	vst v63  }
0x98: {  	_ =	swait.ge [sflag:s28], $0x1000  }
0x99: {  	[sflag:s28] =	ssyncset.done $0x0  }
0x9a: {  	[sflag:s28] =	ssyncadd.s32 $0xFFFFF000  }
0x9b: {  	_ =	swait.ge [sflag:s28], $0x1000  }
0x9c: {  	[sflag:s28] =	ssyncset.done $0x0  }
0x9d: {  	[sflag:s28] =	ssyncadd.s32 $0xFFFFF000  }
0x9e: {  	[hbm4b:s6+s2] =	stream.linear.scatter [tilespmem:s15], [sflag:$0x6], $0x2000, $0x38;
	[tilespmem:$0xB400] =	vst v63  }
0x9f: {  	_ =	swait.ge [sflag:s29], $0x1000  }
0xa0: {  	[sflag:s29] =	ssyncset.done $0x0  }
0xa1: {  	[sflag:s29] =	ssyncadd.s32 $0xFFFFF000  }
0xa2: {  	_ =	swait.ge [sflag:s29], $0x1000  }
0xa3: {  	[sflag:s29] =	ssyncset.done $0x0  }
0xa4: {  	[sflag:s29] =	ssyncadd.s32 $0xFFFFF000  }
0xa5: {  	[hbm4b:s7+s2] =	stream.linear.scatter [tilespmem:s19], [sflag:$0x7], $0x2000, $0x38;
	[tilespmem:$0xB400] =	vst v63  }
0xa6: {  	_ =	swait.ge [sflag:s30], $0x1000  }
0xa7: {  	[sflag:s30] =	ssyncset.done $0x0  }
0xa8: {  	[sflag:s30] =	ssyncadd.s32 $0xFFFFF000  }
0xa9: {  	_ =	swait.ge [sflag:s30], $0x1000  }
0xaa: {  	[sflag:s30] =	ssyncset.done $0x0  }
0xab: {  	[sflag:s30] =	ssyncadd.s32 $0xFFFFF000  }
0xac: {  	[hbm4b:s8+s2] =	stream.linear.scatter [tilespmem:s23], [sflag:$0x8], $0x2000, $0x38;
	[tilespmem:$0xB400] =	vst v63  }
0xad: {  	_ =	swait.ge [sflag:s31], $0x2000  }
0xae: {  	[sflag:s31] =	ssyncset.done $0x0  }
0xaf: {  	[sflag:s31] =	ssyncadd.s32 $0xFFFFE000  }
0xb0: {  	_ =	swait.ge [sflag:s1], $0x2000  }
0xb1: {  	[sflag:s1] =	ssyncset.done $0x0  }
0xb2: {  	s16 =	sadd.s32 $0x1, s16;
	[sflag:s1] =	ssyncadd.s32 $0xFFFFE000  }
0xb3: {  	p0 =	sne.s32 s16, s9;
	_ =	swait.ge [sflag:s0], $0x2000  }
.Ltmp1:
0xb4: {  	[sflag:s0] =	ssyncset.done $0x0;
	(pc) =	sbr.rel @p0 .LBB2_1-.Ltmp1, $4  }
0xb5: {  	[sflag:s0] =	ssyncadd.s32 $0xFFFFE000  }
0xb6: {  	_ =	swait.ge [sflag:s14], $0x2000  }
0xb7: {  	[sflag:s14] =	ssyncset.done $0x0  }
0xb8: {  	[sflag:s14] =	ssyncadd.s32 $0xFFFFE000  }
0xb9: {  	_ =	sfence.sel $0x180000  }
0xba: {  	[bflag:$0x0] =	sbarrier.arrive $0xFFFF  }
0xbb: {  	_ =	strace $0x90000047  }
0xbc: {  	s0 =	stileid.u32;
	[bflag:$0x2] =	sbarrier.arrive $0xFFFF  }
0xbd: {  	p0 =	sne.s32 s0, $0x0;
	s0 =	rddreg [dreg:$0x2]  }
0xbe: {  	s0 =	sadd.s32 @!p0 $0x100000, s0  }
0xbf: {  	[sflag:s0] =	ssyncadd.tile.s32 @!p0 $0x1;
	_ =	shalt  }
.Lfunc_end2:
_tile_overlayer_lowered:
.L_overlay_start_2:
0xc0: {  	(tag) =	ssettag $0x2  }
0xc1: {  	s0 =	rddreg [dreg:$0x0];
	s2 =	stileid.u32  }
0xc2: {  	s1 =	rddreg [dreg:$0x1];
	p0 =	sne.s32 s2, $0x0  }
0xc3: {  	s3 =	rddreg [dreg:$0x2];
	[bflag:$0x3] =	sbarrier.arrive $0xFFFF;
	s2 =	simm.s32 @!p0 $0x1C09  }
0xc4: {  	[timem:s3], [sflag:s2] =	dma.local @!p0 [hbm:s0], s1  }
0xc5: {  	s0 =	simm.s32 @!p0 $0x9  }
0xc6: {  	_ =	swait.ge @!p0 [sflag:s0], s1  }
0xc7: {  	s1 =	ssub.s32 @!p0 $0x0, s1;
	[sflag:s0] =	ssyncset.done @!p0 $0x0  }
0xc8: {  	[sflag:s0] =	ssyncadd.s32 @!p0 s1  }
0xc9: {  	[bflag:$0x3] =	sbarrier.arrive $0xFFFF  }
0xca: {  	_ =	shalt  }

// kernel: sparse-core-data-format-call.cloned.1.call-start
scs
called_computation_lowered:
.L_overlay_start_0:
0x0: {  	s2 =	sld [smem:$0x3FD9]  }
0x1: {  	s3 =	sld [smem:$0x3FFE];
	_ =	sdelay $0x1  }
0x2: {  	s1 =	srdreg.scid  }
0x3: {  	s0 =	sand.u32 $0x1, s1  }
0x4: {  	s18 =	sshll.u32 s0, $0xA;
	s2 =	sadd.s32 s3, s2  }
0x5: {  	s2 =	sadd.s32 s2, s18  }
0x6: {  	[smem:$0x3FC6] =	sst s2  }
0x7: {  	_ = 	snop  }
0x8: {  	s2 =	sld [smem:$0x3FD0];
	(tm) =	ssettm $0x1  }
0x9: {  	s19 =	sld [smem:$0x3FFB];
	_ =	sdelay $0x3  }
0xa: {  	_ =	strace s19  }
0xb: {  	s3 =	sld [smem:$0x3FFC];
	_ =	sdelay $0x3  }
0xc: {  	_ =	strace s3  }
0xd: {  	s3 =	sld [smem:$0x3FFD];
	_ =	sdelay $0x3  }
0xe: {  	_ =	strace s3  }
0xf: {  	_ =	strace $0x8FFFFFFF  }
0x10: {  	s20 =	sld [smem:$0x3FDB];
	_ =	sdelay $0x1  }
0x11: {  	s4 =	simm.s32 $_scs_section_size  }
0x12: {  	s5 =	simm.s32 $_size__tile_overlayer_lowered;
	s6 =	simm.s32 $_tile_overlayer_lowered  }
0x13: {  	s23 =	simm.s32 $0x1BFF;
	s22 =	sshll.u32 s6, $0x1;
	s3 =	sadd.s32 s4, s20  }
0x14: {  	s7 =	simm.s32 $0x0;
	s21 =	sshll.u32 s5, $0x1;
	s5 =	sadd.s32 s22, s3  }
0x15: {  	[timem:s7], [sflag:s23] =	dma.local [hbm:s5], s21  }
0x16: {  	_ =	swait.ge [sflag:s23], s21  }
0x17: {  	s4 =	ssub.s32 $0x0, s21;
	[sflag:s23] =	ssyncset.done $0x0  }
0x18: {  	[sflag:s23] =	ssyncadd.s32 s4;
	_ =	sdelay $0x1  }
0x19: {  	s24 =	simm.s32 $0x1B8B  }
0x1a: {  	_ =	swait.ge [sflag:s24], $0x1  }
0x1b: {  	[sflag:s24] =	ssyncset.done $0x0  }
0x1c: {  	s26 =	simm.s32 $0x1B8E;
	s25 =	sld [smem:$0x3FFE];
	[sflag:s24] =	ssyncadd.s32 $0xFFFFFFFF  }
0x1d: {  	s27 =	simm.s32 $execute0_lowered;
	[smem:$0x3FD2] =	sst s26  }
0x1e: {  	s5 =	sshll.u32 s27, $0x1;
	_ =	strace $0x80000049;
	[dreg:$0x1] =	wrdreg $0xFFFFFFFF  }
0x1f: {  	s28 =	simm.s32 $_size_execute0_lowered;
	s3 =	sadd.s32 s3, s5;
	[dreg:$0x0] =	wrdreg $0x0  }
0x20: {  	s5 =	sshll.u32 s28, $0x1;
	[dreg:$0x2] =	wrdreg s3  }
0x21: {  	[dreg:$0x3] =	wrdreg s5  }
0x22: {  	[dreg:$0x4] =	wrdreg $0xC0  }
0x23: {  	_ =	task [dreg:s7], $0x5FFFF  }
0x24: {  	[dreg:$0x1] =	wrdreg $0xFFFFFFFF  }
0x25: {  	[dreg:$0x0] =	wrdreg $0x60  }
0x26: {  	[dreg:$0x2] =	wrdreg s25  }
0x27: {  	[dreg:$0x3] =	wrdreg s2  }
0x28: {  	[dreg:$0x4] =	wrdreg $0x9  }
0x29: {  	_ =	task.clear_ibuf [dreg:s7], $0x5FFFF;
	_ =	strace $0x90000049  }
0x2a: {  	s29 =	simm.s32 $0x9;
	_ =	strace $0x8000004B  }
0x2b: {  	_ =	swait.ge [sflag:s29], $0x1  }
0x2c: {  	[sflag:s29] =	ssyncadd.s32 $0xFFFFFFFF  }
0x2d: {  	_ =	strace $0x9000004B  }
0x2e: {  	_ =	sfence  }
0x2f: {  	s30 =	sld [smem:$0x0];
	_ =	sdelay $0x2  }
0x30: {  	s31 =	sshll.u32 s1, $0xD;
	s1 =	sshrl.u32 s1, $0x2  }
0x31: {  	s3 =	sand.u32 $0x4000, s31;
	s1 =	sadd.s32 s1, s30  }
0x32: {  	s0 =	sor.u32 s3, s0;
	s1 =	sshll.u32 s1, $0x11  }
0x33: {  	s0 =	sor.u32 s1, s0  }
0x34: {  	s0 =	sadd.s32 $0x8F2B, s0  }
0x35: {  	[sflag:s0] =	ssyncadd.remote.s32 $0x1  }
0x36: {  	_ =	sfence.sel $0xFFFF  }
0x37: {  	[dreg:$0x0] =	wrdreg $0xFFFFFFFF;
	(pc) =	sbr.abs _section_cstart, $3  }
0x38: {  	[dreg:$0x1] =	wrdreg $0xFFFFFFFF  }
0x39: {  	_ =	task.clear_ibuf [dreg:s7], $0x2FFFF;
	_ =	strace $0x9FFFFFFF  }
0x3a: {  	(tm) =	ssettm $0x7FFFFFFF  }
0x3b: {  	_ =	shalt  }
tec
execute0_lowered:
.L_overlay_start_1:
0x0: {  	(tag) =	ssettag $0x1  }
0x1: {  	s0 =	srdreg.scid  }
0x2: {  	s1 =	sshll.u32 s0, $0x4  }
0x3: {  	s0 =	stileid.u32;
	s1 =	sand.u32 $0x10, s1  }
0x4: {  	s1 =	sor.u32 s0, s1  }
0x5: {  	s6 =	rddreg [dreg:$0x0];
	s4 =	simm.s32 $0x1;
	s2 =	sshll.u32 s1, $0x7  }
0x6: {  	s7 =	simm.s32 $0x2;
	s12 =	simm.s32 $0x0;
	s1 =	ssub.s32 $0x4000, s2  }
0x7: {  	s8 =	simm.s32 $0x20000;
	s13 =	simm.s32 $0x0;
	s3 =	sand.u32 $0xF80, s1  }
0x8: {  	s9 =	simm.s32 $0x0;
	s5 =	sshrl.u32 s1, $0xC;
	p0 =	sne.s32 s3, $0x0  }
.Ltmp0:
0x9: {  	s1 =	rddreg [dreg:$0x2];
	s4 =	simm.s32 @!p0 $0x0;
	(pc) =	sbr.rel .LBB1_1-.Ltmp0, $4  }
0xa: {  	s11 =	simm.s32 $0x0;
	s3 =	rddreg [dreg:$0x1];
	s5 =	sadd.s32 s4, s5  }
0xb: {  	_ =	strace $0x8000004A;
	s4 =	simm.s32 $0x1;
	s5 =	smul.u32 $0x1A, s5  }
0xc: {  	s6 =	sadd.s32 $0x800, s6;
	s10 =	smov.u32 s2;
	[sflag:s4] =	ssyncpa.u1 $0x0  }
0xd: {  	p0 =	por $0x0, $0x0;
	[sflag:s7] =	ssyncpa.u1 $0x0;
	s7 =	sor.u32 $0x1, s5  }
.LBB1_4:
0xe: {  	s16 =	sshll.u32 s13, $0x3;
	s17 =	sand.u32 $0x78, s13  }
0xf: {  	s30 =	sand.u32 $0xF800, s13;
	s12 =	sshll.u32 s12, $0x10;
	s16 =	sand.u32 $0x3C00, s16  }
0x10: {  	s31 =	sand.u32 $0x7, s13;
	s16 =	sor.u32 s17, s16;
	s17 =	sadd.s32 s3, s30  }
0x11: {  	s13 =	sshll.u32 s31, $0x12;
	s16 =	sshrl.u32 s16, $0x3;
	s12 =	sadd.s32 s12, s17  }
0x12: {  	[tilespmem:s15+$0x0 ss:$0x81] =	vst.msk $0xffff, v0;
	s13 =	sor.u32 $0x400, s13;
	s12 =	sadd.s32 s16, s12  }
0x13: {  	[hbm4b:s12+s13] =	stream.strided.scatter [tilespmem:s14], [sflag:$0x2], $0x1000, s8, s13, $0x20;
	[tilespmem:$0x4040] =	vst v63  }
.LBB1_5:
0x14: {  	s14 =	sadd.s32 $0x1, s9  }
0x15: {  	s12 =	sadd.s32 $0x1000, s10;
	s16 =	smov.u32 s10;
	p2 =	sgt.s32 s14, $0x19  }
0x16: {  	s16 =	smov.u32 @p2 s12  }
0x17: {  	s14 =	simm.s32 @p2 $0x0;
	p2 =	sgt.s32 s16, $0x3FFF  }
0x18: {  	s16 =	smov.u32 @p2 s2;
	p2 =	sne.s32 s11, s7  }
.Ltmp1:
0x19: {  	p1 =	slt.u32 s11, $0x2;
	(pc) =	sbr.rel @!p2 .LBB1_6-.Ltmp1, $4  }
0x1a: {  	s15 =	simm.s32 @!p1 $0x2  }
0x1b: {  	s13 =	smov.u32 s10;
	p0 =	por !p0, !p0;
	_ =	swait.ge @!p1 [sflag:s15], $0x1000  }
0x1c: {  	s12 =	smov.u32 s9;
	[sflag:s15] =	ssyncset.done @!p1 $0x0;
	s9 =	smov.u32 s14  }
0x1d: {  	s11 =	sadd.s32 $0x1, s11;
	[sflag:s15] =	ssyncadd.s32 @!p1 $0xFFFFF000;
	s10 =	smov.u32 s16  }
.LBB1_1:
0x1e: {  	p1 =	sge.u32 s11, s5  }
0x1f: {  	s31 =	sadd.s32 $0xFFFFFFFF, s11;
	s14 =	sxor.u32 @!p1 $0xFFFFFFFF, s11  }
0x20: {  	s15 =	sshll.u32 @!p1 s10, $0x9;
	s16 =	sshll.u32 @!p1 s9, $0x4;
	s17 =	simm.s32 @!p1 $0x1000  }
0x21: {  	s14 =	sshll.u32 @!p1 s14, $0xC;
	s16 =	sand.u32 @!p1 $0x1F0, s16;
	s15 =	sadd.s32 @!p1 s6, s15  }
0x22: {  	s14 =	sand.u32 @!p1 $0x1000, s14;
	s15 =	sadd.s32 @!p1 s16, s15;
	s16 =	simm.s32 @!p1 $0x20  }
0x23: {  	[tilespmem:s14], [sflag:$0x1] =	stream.strided.gather @!p1 [hbm4b:s15+s16], $0x1000, s17, s16, $0x38;
	[tilespmem:$0x4040] =	vst v63  }
0x24: {  	p1 =	sge.u32 s31, s5  }
.Ltmp2:
0x25: {  	_ = 	snop;
	(pc) =	sbr.rel @p1 .LBB1_5-.Ltmp2, $1  }
0x26: {  	_ =	sdelay $0x3  }
0x27: {  	s14 =	simm.s32 $0x1  }
0x28: {  	_ =	swait.ge [sflag:s4], $0x1000;
	s14 =	simm.s32 @!p0 $0x0  }
0x29: {  	[sflag:s4] =	ssyncset.done $0x0;
	s15 =	sshll.u32 s14, $0xC  }
0x2a: {  	[sflag:s4] =	ssyncadd.s32 $0xFFFFF000;
	s18 =	sor.u32 $0x10, s15  }
0x2b: {  	s14 =	smul.u32 $0x4080, s14;
	v1 =	vld [tilespmem:s18+$0x0]  }
0x2c: {  	s30 =	sand.u32 $0x1, s11;
	v0 =	vld [tilespmem:s18+$0xFFFFFFF0]  }
0x2d: {  	s15 =	smul.u32 $0x4080, s30;
	s14 =	sshrl.u32 s14, $0x2  }
0x2e: {  	s16 =	sor.u32 $0x2000, s14  }
0x2f: {  	s31 =	sshrl.u32 s15, $0x2;
	s15 =	sadd.s32 $0x0, s16  }
0x30: {  	s17 =	simm.s32 $0x4;
	s18 =	sadd.s32 $0x20, s18;
	s14 =	sor.u32 $0x2000, s31;
	[tilespmem:s15+$0x810 ss:$0x81] =	vst.msk $0xffff, v1  }
.LBB1_3:
0x31: {  	v1 =	vld [tilespmem:s18+$0x0];
	p1 =	sne.s32 s17, $0x1FC;
	[tilespmem:s15+$0x0 ss:$0x81] =	vst.msk $0xffff, v0;
	s15 =	smov.u32 s17;
	s17 =	sadd.s32 $0x4, s17  }
.Ltmp3:
0x32: {  	v0 =	vld [tilespmem:s18+$0xFFFFFFF0];
	(pc) =	sbr.rel @p1 .LBB1_3-.Ltmp3, $4  }
0x33: {  	_ = 	snop  }
0x34: {  	s15 =	sshra.s32 s15, $0x2  }
0x35: {  	s15 =	sadd.s32 s15, s16  }
0x36: {  	s18 =	sadd.s32 $0x20, s18;
	[tilespmem:s15+$0x810 ss:$0x81] =	vst.msk $0xffff, v1  }
.Ltmp4:
0x37: {  	_ = 	snop;
	(pc) =	sbr.rel .LBB1_4-.Ltmp4, $1  }
0x38: {  	_ =	sdelay $0x3  }
.LBB1_6:
0x39: {  	_ =	sfence.sel $0x180000  }
0x3a: {  	s2 =	simm.s32 $0x1;
	[bflag:$0x0] =	sbarrier.arrive $0xFFFF  }
0x3b: {  	s31 =	simm.s32 $0x2;
	[sflag:s2] =	ssyncpa.u1 $0x1  }
0x3c: {  	[sflag:s31] =	ssyncpa.u1 $0x1  }
0x3d: {  	p0 =	sne.s32 s0, $0x0;
	_ =	strace $0x9000004A  }
0x3e: {  	s0 =	sadd.s32 @!p0 $0x100000, s1;
	[bflag:$0x2] =	sbarrier.arrive $0xFFFF  }
0x3f: {  	[sflag:s0] =	ssyncadd.tile.s32 @!p0 $0x1;
	_ =	shalt  }
.Lfunc_end1:
_tile_overlayer_lowered:
.L_overlay_start_2:
0x40: {  	(tag) =	ssettag $0x2  }
0x41: {  	s0 =	rddreg [dreg:$0x0];
	s2 =	stileid.u32  }
0x42: {  	s1 =	rddreg [dreg:$0x1];
	p0 =	sne.s32 s2, $0x0  }
0x43: {  	s3 =	rddreg [dreg:$0x2];
	[bflag:$0x3] =	sbarrier.arrive $0xFFFF;
	s2 =	simm.s32 @!p0 $0x1C01  }
0x44: {  	[timem:s3], [sflag:s2] =	dma.local @!p0 [hbm:s0], s1  }
0x45: {  	s0 =	simm.s32 @!p0 $0x1  }
0x46: {  	_ =	swait.ge @!p0 [sflag:s0], s1  }
0x47: {  	s1 =	ssub.s32 @!p0 $0x0, s1;
	[sflag:s0] =	ssyncset.done @!p0 $0x0  }
0x48: {  	[sflag:s0] =	ssyncadd.s32 @!p0 s1  }
0x49: {  	[bflag:$0x3] =	sbarrier.arrive $0xFFFF  }
0x4a: {  	_ =	shalt  }

</sc_bundles>
